<compile_context>
chip_gen: v7x
topology: tpu7x:2x2x1
jax: 0.10.2.dev20260603
libtpu: 0.0.44.dev20260713+nightly
codegen_flags: <defaults>
</compile_context>

<pallas_src>
import functools

import jax
import jax.numpy as jnp
from jax import lax
from jax.experimental import pallas as pl
from jax.experimental.pallas import tpu as pltpu
from jax.experimental.pallas import tpu_sc as plsc

_B = 16384
_K = 8192
_D = 32
_TB = 1024
_KC = 2048

_NC = 2
_NS = 16
_NW = _NC * _NS
_BPW = _B // _NW
_IC = 128


def _row_sum32(v):
    b = ((v[:, :8] + v[:, 8:16]) + v[:, 16:24]) + v[:, 24:32]
    c = b[:, :4] + b[:, 4:8]
    e = c[:, :2] + c[:, 2:4]
    return e[:, 0:1] + e[:, 1:2]


def _bf16_round(x):
    return x.astype(jnp.bfloat16).astype(jnp.float32)


def _argmin_loss_body(z_ref, cb_ref, idx_ref, loss_ref, csq_ref):
    @pl.when(pl.program_id(0) == 0)
    def _fill_csq():
        for c in range(_K // _KC):
            cb = cb_ref[c * _KC:(c + 1) * _KC, :]
            csq_ref[0:1, c * _KC:(c + 1) * _KC] = (
                _row_sum32(cb * cb)[:, 0][None, :])

    z = z_ref[...]
    x_sq = _row_sum32(z * z)
    vals, idxs = [], []
    for c in range(_K // _KC):
        cb = cb_ref[c * _KC:(c + 1) * _KC, :]
        c_sq = csq_ref[0:1, c * _KC:(c + 1) * _KC]
        dots = lax.dot_general(z, cb, (((1,), (1,)), ((), ())))
        sq = x_sq + c_sq - 2.0 * dots
        dist = jnp.sqrt(jnp.maximum(sq, 0.0))
        acc_v = dist[:, 0:128]
        acc_j = jnp.zeros((_TB, 128), jnp.int32)
        for jj in range(1, _KC // 128):
            v = dist[:, jj * 128:(jj + 1) * 128]
            upd = v < acc_v
            acc_j = jnp.where(upd, jj, acc_j)
            acc_v = jnp.minimum(acc_v, v)
        loc_min = jnp.min(acc_v, axis=-1, keepdims=True)
        lane = lax.broadcasted_iota(jnp.int32, (_TB, 128), 1)
        j_full = acc_j * 128 + lane
        loc_idx = jnp.min(jnp.where(acc_v == loc_min, j_full, _K),
                          axis=-1, keepdims=True) + c * _KC
        vals.append(loc_min)
        idxs.append(loc_idx)

    def exact_merge(v0, i0, v1, i1):
        w = v1 < v0
        return jnp.where(w, v1, v0), jnp.where(w, i1, i0)

    nch = _K // _KC
    half = nch // 2
    va, ia = vals[0], idxs[0]
    for c in range(1, half):
        va, ia = exact_merge(va, ia, vals[c], idxs[c])
    vb, ib = vals[half], idxs[half]
    for c in range(half + 1, nch):
        vb, ib = exact_merge(vb, ib, vals[c], idxs[c])
    upd = vb < _bf16_round(va)
    run_idx = jnp.where(upd, ib, ia)
    run_val = jnp.where(upd, vb, va)

    idx_ref[0, 0, :] = run_idx[:, 0]

    @pl.when(pl.program_id(0) == 0)
    def _init():
        loss_ref[...] = jnp.zeros((1, 1), jnp.float32)

    loss_ref[...] += jnp.sum(run_val * run_val).reshape(1, 1)


def _tc_argmin_loss(z_e, codebook):
    return pl.pallas_call(
        _argmin_loss_body,
        grid=(_B // _TB,),
        in_specs=[
            pl.BlockSpec((_TB, _D), lambda i: (i, 0)),
            pl.BlockSpec((_K, _D), lambda i: (0, 0)),
        ],
        out_specs=[
            pl.BlockSpec((1, 1, _TB), lambda i: (i, 0, 0)),
            pl.BlockSpec((1, 1), lambda i: (0, 0)),
        ],
        out_shape=[
            jax.ShapeDtypeStruct((_B // _TB, 1, _TB), jnp.int32),
            jax.ShapeDtypeStruct((1, 1), jnp.float32),
        ],
        scratch_shapes=[pltpu.VMEM((1, _K), jnp.float32)],
        compiler_params=pltpu.CompilerParams(
            dimension_semantics=("arbitrary",)),
    )(z_e, codebook)


_DP = 128


def _sc_gather_body(table_hbm, idx_hbm, out_hbm, idx_v, rows_v, sem):
    wid = lax.axis_index("s") * _NC + lax.axis_index("c")
    base = wid * _BPW
    pltpu.sync_copy(idx_hbm.at[pl.ds(wid * (_BPW // _IC), _BPW // _IC)],
                    idx_v)
    copies = [
        pltpu.async_copy(table_hbm.at[idx_v.at[j]],
                         rows_v.at[pl.ds(j * _IC, _IC)], sem)
        for j in range(_BPW // _IC)
    ]
    for c in copies:
        c.wait()
    pltpu.sync_copy(rows_v, out_hbm.at[pl.ds(base, _BPW)])


def _sc_gather(table_padded, idx):
    mesh = plsc.VectorSubcoreMesh(core_axis_name="c", subcore_axis_name="s")
    f = pl.kernel(
        _sc_gather_body,
        out_type=jax.ShapeDtypeStruct((_B, _DP), jnp.float32),
        mesh=mesh,
        scratch_types=[
            pltpu.VMEM((_BPW // _IC, _IC), jnp.int32),
            pltpu.VMEM((_BPW, _DP), jnp.float32),
            pltpu.SemaphoreType.DMA,
        ],
    )
    return f(table_padded, idx.reshape(_B // _IC, _IC))


def kernel(z_e, codebook):
    idx3, sq_sum = _tc_argmin_loss(z_e, codebook)
    idx = idx3.reshape(_B)
    table_padded = jnp.pad(codebook, ((0, 0), (0, _DP - _D)))
    z_q = _sc_gather(table_padded, idx)[:, :_D]
    commitment_loss = (sq_sum[0, 0] / (_B * _D)).astype(jnp.float32)
    return (z_q, commitment_loss)

# --- scband reference (transcript-rebuilt; emitter-appended) ---
"""Pipeline reference for scband-tactile-vq-27401891348683 (READ-ONLY COPY).

The authoritative reference and input builder live on the scoring server;
editing this copy changes nothing except your own understanding.
"""

import jax, jax.numpy as jnp
import numpy as np

NUM_EMBEDDINGS = 8192
EMBEDDING_DIM = 32
BATCH = 16384


def setup_inputs(seed: int = 0) -> dict:
    key = jax.random.key(seed)
    k1, k2 = jax.random.split(key)
    z_e = jax.random.normal(k1, (BATCH, EMBEDDING_DIM), dtype=jnp.float32)
    # nn.Embedding weight with uniform_(-1/K, 1/K) init
    codebook = jax.random.uniform(
        k2, (NUM_EMBEDDINGS, EMBEDDING_DIM), dtype=jnp.float32,
        minval=-1.0 / NUM_EMBEDDINGS, maxval=1.0 / NUM_EMBEDDINGS)
    return {"z_e": z_e, "codebook": codebook}


def reference(z_e, codebook):
    # torch.cdist(z_e, codebook, p=2) via expanded squared-euclidean form
    x_sq = jnp.sum(z_e * z_e, axis=-1, keepdims=True)              # [B, 1]
    c_sq = jnp.sum(codebook * codebook, axis=-1)[None, :]          # [1, K]
    sq = x_sq + c_sq - 2.0 * (z_e @ codebook.T)                    # [B, K]
    distances = jnp.sqrt(jnp.maximum(sq, 0.0))
    encoding_indices = jnp.argmin(distances, axis=-1)              # [B]
    # (torch forward also builds a one_hot encoding_matrix, but it is unused
    #  in the returned outputs, so it is omitted here)
    z_q = jnp.take(codebook, encoding_indices, axis=0)             # embedding lookup
    z_q = z_q.reshape(z_e.shape)
    commitment_loss = jnp.mean((z_q - jax.lax.stop_gradient(z_e)) ** 2)
    # return_indices=False path -> (z_q, commitment_loss, None); drop the None
    return (z_q, commitment_loss)

if __name__ == "__main__":
    import jax
    _d = setup_inputs()
    print(jax.jit(kernel)(*tuple(_d.values())))

</pallas_src>

<mosaic_0001>
#map = affine_map<(d0, d1) -> (0, 0)>
module attributes {stable_mosaic.version = 14 : i64} {
  func.func @_sc_gather_body(%arg0: i32, %arg1: i32, %arg2: memref<8192x128xf32, #tpu.memory_space<hbm>>, %arg3: memref<128x128xi32, #tpu.memory_space<hbm>>, %arg4: memref<16384x128xf32, #tpu.memory_space<hbm>>, %arg5: memref<4x128xi32, #tpu.memory_space<vmem>>, %arg6: memref<512x128xf32, #tpu.memory_space<vmem>>, %arg7: memref<!tpu.dma_semaphore, #tpu.memory_space<semaphore_mem>>) attributes {dimension_semantics = [#tpu.dimension_semantics<core_parallel>, #tpu.dimension_semantics<subcore_parallel>], iteration_bounds = array<i64: 2, 16>, scalar_prefetch = 0 : i64, scratch_operands = 3 : i64, tpu.core_type = #tpu.core_type<sc_vector_subcore>, window_params = [{transform_indices = #map}, {transform_indices = #map}, {transform_indices = #map}]} {
    %mul3A = arith.constant 2 : i32
    %mul3A_0 = arith.muli %arg1, %mul3A : i32
    %add3A = arith.addi %mul3A_0, %arg0 : i32
    %mul3A_1 = arith.constant 512 : i32
    %mul3A_2 = arith.muli %add3A, %mul3A_1 : i32
    %mul3A_3 = arith.constant 4 : i32
    %mul3A_4 = arith.muli %add3A, %mul3A_3 : i32
    "tpu.region"() ({
      %run_scoped3A = tpu.sem_alloc : memref<!tpu.dma_semaphore, #tpu.memory_space<semaphore_mem>>
      %dma_start3A_83 = arith.constant 0 : i32
      %dma_start3A_84 = tpu.memref_slice %arg3[%mul3A_4, %dma_start3A_83] : memref<128x128xi32, #tpu.memory_space<hbm>> -> memref<4x128xi32, #tpu.memory_space<hbm>>
      %dma_start3A_85 = arith.constant 0 : i32
      %dma_start3A_86 = tpu.memref_slice %arg3[%mul3A_4, %dma_start3A_85] : memref<128x128xi32, #tpu.memory_space<hbm>> -> memref<4x128xi32, #tpu.memory_space<hbm>>
      tpu.enqueue_dma source(%dma_start3A_86 : memref<4x128xi32, #tpu.memory_space<hbm>>) target(%arg5 : memref<4x128xi32, #tpu.memory_space<vmem>>) target_semaphore(%run_scoped3A : memref<!tpu.dma_semaphore, #tpu.memory_space<semaphore_mem>>)
      %dma_wait3A_87 = arith.constant 0 : i32
      %dma_wait3A_88 = tpu.memref_slice %arg3[%mul3A_4, %dma_wait3A_87] : memref<128x128xi32, #tpu.memory_space<hbm>> -> memref<4x128xi32, #tpu.memory_space<hbm>>
      %dma_wait3A_89 = arith.constant 0 : i32
      %dma_wait3A_90 = tpu.memref_slice %arg3[%mul3A_4, %dma_wait3A_89] : memref<128x128xi32, #tpu.memory_space<hbm>> -> memref<4x128xi32, #tpu.memory_space<hbm>>
      tpu.wait_dma2 semaphore(%run_scoped3A : memref<!tpu.dma_semaphore, #tpu.memory_space<semaphore_mem>>) src(%dma_wait3A_90 : memref<4x128xi32, #tpu.memory_space<hbm>>) dst(%arg5 : memref<4x128xi32, #tpu.memory_space<vmem>>)
      tpu.yield
    }) : () -> ()
    %dma_start3A = arith.constant 0 : i32
    %dma_start3A_5 = arith.constant 0 : i32
    %dma_start3A_6 = arith.constant 0 : i32
    %dma_start3A_7 = tpu.memref_slice %arg6[%dma_start3A_5, %dma_start3A_6] : memref<512x128xf32, #tpu.memory_space<vmem>> -> memref<128x128xf32, #tpu.memory_space<vmem>>
    %dma_start3A_8 = arith.constant 0 : i32
    %dma_start3A_9 = tpu.memref_slice %arg5[%dma_start3A, %dma_start3A_8] : memref<4x128xi32, #tpu.memory_space<vmem>> -> memref<1x128xi32, #tpu.memory_space<vmem>>
    %dma_start3A_10 = tpu.memref_squeeze %dma_start3A_9 : memref<1x128xi32, #tpu.memory_space<vmem>> -> memref<128xi32, #tpu.memory_space<vmem>>
    %dma_start3A_11 = arith.constant 0 : i32
    %dma_start3A_12 = arith.constant 0 : i32
    %dma_start3A_13 = tpu.memref_slice %arg2[%dma_start3A_11, %dma_start3A_12] : memref<8192x128xf32, #tpu.memory_space<hbm>> -> memref<8192x128xf32, #tpu.memory_space<hbm>>
    tpu.enqueue_indirect_dma source(%dma_start3A_13 : memref<8192x128xf32, #tpu.memory_space<hbm>>) target(%dma_start3A_7 : memref<128x128xf32, #tpu.memory_space<vmem>>) offsets(%dma_start3A_10 : memref<128xi32, #tpu.memory_space<vmem>>) semaphore(%arg7 : memref<!tpu.dma_semaphore, #tpu.memory_space<semaphore_mem>>)
    %dma_start3A_14 = arith.constant 1 : i32
    %dma_start3A_15 = arith.constant 128 : i32
    %dma_start3A_16 = arith.constant 0 : i32
    %dma_start3A_17 = tpu.memref_slice %arg6[%dma_start3A_15, %dma_start3A_16] : memref<512x128xf32, #tpu.memory_space<vmem>> -> memref<128x128xf32, #tpu.memory_space<vmem>>
    %dma_start3A_18 = arith.constant 0 : i32
    %dma_start3A_19 = tpu.memref_slice %arg5[%dma_start3A_14, %dma_start3A_18] : memref<4x128xi32, #tpu.memory_space<vmem>> -> memref<1x128xi32, #tpu.memory_space<vmem>>
    %dma_start3A_20 = tpu.memref_squeeze %dma_start3A_19 : memref<1x128xi32, #tpu.memory_space<vmem>> -> memref<128xi32, #tpu.memory_space<vmem>>
    %dma_start3A_21 = arith.constant 0 : i32
    %dma_start3A_22 = arith.constant 0 : i32
    %dma_start3A_23 = tpu.memref_slice %arg2[%dma_start3A_21, %dma_start3A_22] : memref<8192x128xf32, #tpu.memory_space<hbm>> -> memref<8192x128xf32, #tpu.memory_space<hbm>>
    tpu.enqueue_indirect_dma source(%dma_start3A_23 : memref<8192x128xf32, #tpu.memory_space<hbm>>) target(%dma_start3A_17 : memref<128x128xf32, #tpu.memory_space<vmem>>) offsets(%dma_start3A_20 : memref<128xi32, #tpu.memory_space<vmem>>) semaphore(%arg7 : memref<!tpu.dma_semaphore, #tpu.memory_space<semaphore_mem>>)
    %dma_start3A_24 = arith.constant 2 : i32
    %dma_start3A_25 = arith.constant 256 : i32
    %dma_start3A_26 = arith.constant 0 : i32
    %dma_start3A_27 = tpu.memref_slice %arg6[%dma_start3A_25, %dma_start3A_26] : memref<512x128xf32, #tpu.memory_space<vmem>> -> memref<128x128xf32, #tpu.memory_space<vmem>>
    %dma_start3A_28 = arith.constant 0 : i32
    %dma_start3A_29 = tpu.memref_slice %arg5[%dma_start3A_24, %dma_start3A_28] : memref<4x128xi32, #tpu.memory_space<vmem>> -> memref<1x128xi32, #tpu.memory_space<vmem>>
    %dma_start3A_30 = tpu.memref_squeeze %dma_start3A_29 : memref<1x128xi32, #tpu.memory_space<vmem>> -> memref<128xi32, #tpu.memory_space<vmem>>
    %dma_start3A_31 = arith.constant 0 : i32
    %dma_start3A_32 = arith.constant 0 : i32
    %dma_start3A_33 = tpu.memref_slice %arg2[%dma_start3A_31, %dma_start3A_32] : memref<8192x128xf32, #tpu.memory_space<hbm>> -> memref<8192x128xf32, #tpu.memory_space<hbm>>
    tpu.enqueue_indirect_dma source(%dma_start3A_33 : memref<8192x128xf32, #tpu.memory_space<hbm>>) target(%dma_start3A_27 : memref<128x128xf32, #tpu.memory_space<vmem>>) offsets(%dma_start3A_30 : memref<128xi32, #tpu.memory_space<vmem>>) semaphore(%arg7 : memref<!tpu.dma_semaphore, #tpu.memory_space<semaphore_mem>>)
    %dma_start3A_34 = arith.constant 3 : i32
    %dma_start3A_35 = arith.constant 384 : i32
    %dma_start3A_36 = arith.constant 0 : i32
    %dma_start3A_37 = tpu.memref_slice %arg6[%dma_start3A_35, %dma_start3A_36] : memref<512x128xf32, #tpu.memory_space<vmem>> -> memref<128x128xf32, #tpu.memory_space<vmem>>
    %dma_start3A_38 = arith.constant 0 : i32
    %dma_start3A_39 = tpu.memref_slice %arg5[%dma_start3A_34, %dma_start3A_38] : memref<4x128xi32, #tpu.memory_space<vmem>> -> memref<1x128xi32, #tpu.memory_space<vmem>>
    %dma_start3A_40 = tpu.memref_squeeze %dma_start3A_39 : memref<1x128xi32, #tpu.memory_space<vmem>> -> memref<128xi32, #tpu.memory_space<vmem>>
    %dma_start3A_41 = arith.constant 0 : i32
    %dma_start3A_42 = arith.constant 0 : i32
    %dma_start3A_43 = tpu.memref_slice %arg2[%dma_start3A_41, %dma_start3A_42] : memref<8192x128xf32, #tpu.memory_space<hbm>> -> memref<8192x128xf32, #tpu.memory_space<hbm>>
    tpu.enqueue_indirect_dma source(%dma_start3A_43 : memref<8192x128xf32, #tpu.memory_space<hbm>>) target(%dma_start3A_37 : memref<128x128xf32, #tpu.memory_space<vmem>>) offsets(%dma_start3A_40 : memref<128xi32, #tpu.memory_space<vmem>>) semaphore(%arg7 : memref<!tpu.dma_semaphore, #tpu.memory_space<semaphore_mem>>)
    %dma_wait3A = arith.constant 0 : i32
    %dma_wait3A_44 = arith.constant 0 : i32
    %dma_wait3A_45 = arith.constant 0 : i32
    %dma_wait3A_46 = tpu.memref_slice %arg6[%dma_wait3A_44, %dma_wait3A_45] : memref<512x128xf32, #tpu.memory_space<vmem>> -> memref<128x128xf32, #tpu.memory_space<vmem>>
    %dma_wait3A_47 = arith.constant 0 : i32
    %dma_wait3A_48 = tpu.memref_slice %arg5[%dma_wait3A, %dma_wait3A_47] : memref<4x128xi32, #tpu.memory_space<vmem>> -> memref<1x128xi32, #tpu.memory_space<vmem>>
    %dma_wait3A_49 = tpu.memref_squeeze %dma_wait3A_48 : memref<1x128xi32, #tpu.memory_space<vmem>> -> memref<128xi32, #tpu.memory_space<vmem>>
    %dma_wait3A_50 = arith.constant 0 : i32
    %dma_wait3A_51 = arith.constant 0 : i32
    %dma_wait3A_52 = tpu.memref_slice %arg2[%dma_wait3A_50, %dma_wait3A_51] : memref<8192x128xf32, #tpu.memory_space<hbm>> -> memref<8192x128xf32, #tpu.memory_space<hbm>>
    tpu.wait_indirect_dma semaphore(%arg7 : memref<!tpu.dma_semaphore, #tpu.memory_space<semaphore_mem>>) src(%dma_wait3A_52 : memref<8192x128xf32, #tpu.memory_space<hbm>>) dst(%dma_wait3A_46 : memref<128x128xf32, #tpu.memory_space<vmem>>)
    %dma_wait3A_53 = arith.constant 1 : i32
    %dma_wait3A_54 = arith.constant 128 : i32
    %dma_wait3A_55 = arith.constant 0 : i32
    %dma_wait3A_56 = tpu.memref_slice %arg6[%dma_wait3A_54, %dma_wait3A_55] : memref<512x128xf32, #tpu.memory_space<vmem>> -> memref<128x128xf32, #tpu.memory_space<vmem>>
    %dma_wait3A_57 = arith.constant 0 : i32
    %dma_wait3A_58 = tpu.memref_slice %arg5[%dma_wait3A_53, %dma_wait3A_57] : memref<4x128xi32, #tpu.memory_space<vmem>> -> memref<1x128xi32, #tpu.memory_space<vmem>>
    %dma_wait3A_59 = tpu.memref_squeeze %dma_wait3A_58 : memref<1x128xi32, #tpu.memory_space<vmem>> -> memref<128xi32, #tpu.memory_space<vmem>>
    %dma_wait3A_60 = arith.constant 0 : i32
    %dma_wait3A_61 = arith.constant 0 : i32
    %dma_wait3A_62 = tpu.memref_slice %arg2[%dma_wait3A_60, %dma_wait3A_61] : memref<8192x128xf32, #tpu.memory_space<hbm>> -> memref<8192x128xf32, #tpu.memory_space<hbm>>
    tpu.wait_indirect_dma semaphore(%arg7 : memref<!tpu.dma_semaphore, #tpu.memory_space<semaphore_mem>>) src(%dma_wait3A_62 : memref<8192x128xf32, #tpu.memory_space<hbm>>) dst(%dma_wait3A_56 : memref<128x128xf32, #tpu.memory_space<vmem>>)
    %dma_wait3A_63 = arith.constant 2 : i32
    %dma_wait3A_64 = arith.constant 256 : i32
    %dma_wait3A_65 = arith.constant 0 : i32
    %dma_wait3A_66 = tpu.memref_slice %arg6[%dma_wait3A_64, %dma_wait3A_65] : memref<512x128xf32, #tpu.memory_space<vmem>> -> memref<128x128xf32, #tpu.memory_space<vmem>>
    %dma_wait3A_67 = arith.constant 0 : i32
    %dma_wait3A_68 = tpu.memref_slice %arg5[%dma_wait3A_63, %dma_wait3A_67] : memref<4x128xi32, #tpu.memory_space<vmem>> -> memref<1x128xi32, #tpu.memory_space<vmem>>
    %dma_wait3A_69 = tpu.memref_squeeze %dma_wait3A_68 : memref<1x128xi32, #tpu.memory_space<vmem>> -> memref<128xi32, #tpu.memory_space<vmem>>
    %dma_wait3A_70 = arith.constant 0 : i32
    %dma_wait3A_71 = arith.constant 0 : i32
    %dma_wait3A_72 = tpu.memref_slice %arg2[%dma_wait3A_70, %dma_wait3A_71] : memref<8192x128xf32, #tpu.memory_space<hbm>> -> memref<8192x128xf32, #tpu.memory_space<hbm>>
    tpu.wait_indirect_dma semaphore(%arg7 : memref<!tpu.dma_semaphore, #tpu.memory_space<semaphore_mem>>) src(%dma_wait3A_72 : memref<8192x128xf32, #tpu.memory_space<hbm>>) dst(%dma_wait3A_66 : memref<128x128xf32, #tpu.memory_space<vmem>>)
    %dma_wait3A_73 = arith.constant 3 : i32
    %dma_wait3A_74 = arith.constant 384 : i32
    %dma_wait3A_75 = arith.constant 0 : i32
    %dma_wait3A_76 = tpu.memref_slice %arg6[%dma_wait3A_74, %dma_wait3A_75] : memref<512x128xf32, #tpu.memory_space<vmem>> -> memref<128x128xf32, #tpu.memory_space<vmem>>
    %dma_wait3A_77 = arith.constant 0 : i32
    %dma_wait3A_78 = tpu.memref_slice %arg5[%dma_wait3A_73, %dma_wait3A_77] : memref<4x128xi32, #tpu.memory_space<vmem>> -> memref<1x128xi32, #tpu.memory_space<vmem>>
    %dma_wait3A_79 = tpu.memref_squeeze %dma_wait3A_78 : memref<1x128xi32, #tpu.memory_space<vmem>> -> memref<128xi32, #tpu.memory_space<vmem>>
    %dma_wait3A_80 = arith.constant 0 : i32
    %dma_wait3A_81 = arith.constant 0 : i32
    %dma_wait3A_82 = tpu.memref_slice %arg2[%dma_wait3A_80, %dma_wait3A_81] : memref<8192x128xf32, #tpu.memory_space<hbm>> -> memref<8192x128xf32, #tpu.memory_space<hbm>>
    tpu.wait_indirect_dma semaphore(%arg7 : memref<!tpu.dma_semaphore, #tpu.memory_space<semaphore_mem>>) src(%dma_wait3A_82 : memref<8192x128xf32, #tpu.memory_space<hbm>>) dst(%dma_wait3A_76 : memref<128x128xf32, #tpu.memory_space<vmem>>)
    "tpu.region"() ({
      %run_scoped3A = tpu.sem_alloc : memref<!tpu.dma_semaphore, #tpu.memory_space<semaphore_mem>>
      %dma_start3A_83 = arith.constant 0 : i32
      %dma_start3A_84 = tpu.memref_slice %arg4[%mul3A_2, %dma_start3A_83] : memref<16384x128xf32, #tpu.memory_space<hbm>> -> memref<512x128xf32, #tpu.memory_space<hbm>>
      %dma_start3A_85 = arith.constant 0 : i32
      %dma_start3A_86 = tpu.memref_slice %arg4[%mul3A_2, %dma_start3A_85] : memref<16384x128xf32, #tpu.memory_space<hbm>> -> memref<512x128xf32, #tpu.memory_space<hbm>>
      tpu.enqueue_dma source(%arg6 : memref<512x128xf32, #tpu.memory_space<vmem>>) target(%dma_start3A_86 : memref<512x128xf32, #tpu.memory_space<hbm>>) target_semaphore(%run_scoped3A : memref<!tpu.dma_semaphore, #tpu.memory_space<semaphore_mem>>)
      %dma_wait3A_87 = arith.constant 0 : i32
      %dma_wait3A_88 = tpu.memref_slice %arg4[%mul3A_2, %dma_wait3A_87] : memref<16384x128xf32, #tpu.memory_space<hbm>> -> memref<512x128xf32, #tpu.memory_space<hbm>>
      %dma_wait3A_89 = arith.constant 0 : i32
      %dma_wait3A_90 = tpu.memref_slice %arg4[%mul3A_2, %dma_wait3A_89] : memref<16384x128xf32, #tpu.memory_space<hbm>> -> memref<512x128xf32, #tpu.memory_space<hbm>>
      tpu.wait_dma2 semaphore(%run_scoped3A : memref<!tpu.dma_semaphore, #tpu.memory_space<semaphore_mem>>) src(%arg6 : memref<512x128xf32, #tpu.memory_space<vmem>>) dst(%dma_wait3A_90 : memref<512x128xf32, #tpu.memory_space<hbm>>)
      tpu.yield
    }) : () -> ()
    return
  }
}

module attributes {stable_mosaic.version = 14 : i64} {
  func.func @_argmin_loss_body(%arg0: i32, %arg1: memref<1024x32xf32, #tpu.memory_space<vmem>>, %arg2: memref<8192x32xf32, #tpu.memory_space<vmem>>, %arg3: memref<1x1x1024xi32, #tpu.memory_space<vmem>>, %arg4: memref<1x1xf32, #tpu.memory_space<vmem>>, %arg5: memref<1x8192xf32, #tpu.memory_space<vmem>>) attributes {dimension_semantics = [#tpu.dimension_semantics<arbitrary>], iteration_bounds = array<i64: 16>, scalar_prefetch = 0 : i64, scratch_operands = 1 : i64, tpu.core_type = #tpu.core_type<tc>, window_params = [{transform_indices = @transform_0, window_bounds = array<i64: 1024, 32>}, {pipeline_mode = #tpu.pipeline_mode<synchronous>, transform_indices = @transform_1, window_bounds = array<i64: 8192, 32>}, {transform_indices = @transform_2, window_bounds = array<i64: 1, 1, 1024>}, {pipeline_mode = #tpu.pipeline_mode<synchronous>, transform_indices = @transform_3, window_bounds = array<i64: 1, 1>}]} {
    %eq3A = arith.constant 0 : i32
    %eq3A_0 = arith.cmpi eq, %arg0, %eq3A : i32
    %convert_element_type3A = arith.extui %eq3A_0 : i1 to i32
    %cond3A = arith.constant 0 : i32
    %cond3A_1 = arith.cmpi ne, %convert_element_type3A, %cond3A : i32
    scf.if %cond3A_1 {
      %get3A_564 = arith.constant 0 : index
      %get3A_565 = arith.constant 0 : index
      %get3A_566 = vector.load %arg2[%get3A_564, %get3A_565] : memref<8192x32xf32, #tpu.memory_space<vmem>>, vector<2048x32xf32>
      %mul3A_567 = arith.mulf %get3A_566, %get3A_566 : vector<2048x32xf32>
      %slice3A_568 = vector.extract_strided_slice %mul3A_567 {offsets = [0, 0], sizes = [2048, 8], strides = [1, 1]} : vector<2048x32xf32> to vector<2048x8xf32>
      %slice3A_569 = vector.extract_strided_slice %mul3A_567 {offsets = [0, 8], sizes = [2048, 8], strides = [1, 1]} : vector<2048x32xf32> to vector<2048x8xf32>
      %add3A_570 = arith.addf %slice3A_568, %slice3A_569 : vector<2048x8xf32>
      %slice3A_571 = vector.extract_strided_slice %mul3A_567 {offsets = [0, 16], sizes = [2048, 8], strides = [1, 1]} : vector<2048x32xf32> to vector<2048x8xf32>
      %add3A_572 = arith.addf %add3A_570, %slice3A_571 : vector<2048x8xf32>
      %slice3A_573 = vector.extract_strided_slice %mul3A_567 {offsets = [0, 24], sizes = [2048, 8], strides = [1, 1]} : vector<2048x32xf32> to vector<2048x8xf32>
      %add3A_574 = arith.addf %add3A_572, %slice3A_573 : vector<2048x8xf32>
      %slice3A_575 = vector.extract_strided_slice %add3A_574 {offsets = [0, 0], sizes = [2048, 4], strides = [1, 1]} : vector<2048x8xf32> to vector<2048x4xf32>
      %slice3A_576 = vector.extract_strided_slice %add3A_574 {offsets = [0, 4], sizes = [2048, 4], strides = [1, 1]} : vector<2048x8xf32> to vector<2048x4xf32>
      %add3A_577 = arith.addf %slice3A_575, %slice3A_576 : vector<2048x4xf32>
      %slice3A_578 = vector.extract_strided_slice %add3A_577 {offsets = [0, 0], sizes = [2048, 2], strides = [1, 1]} : vector<2048x4xf32> to vector<2048x2xf32>
      %slice3A_579 = vector.extract_strided_slice %add3A_577 {offsets = [0, 2], sizes = [2048, 2], strides = [1, 1]} : vector<2048x4xf32> to vector<2048x2xf32>
      %add3A_580 = arith.addf %slice3A_578, %slice3A_579 : vector<2048x2xf32>
      %slice3A_581 = vector.extract_strided_slice %add3A_580 {offsets = [0, 0], sizes = [2048, 1], strides = [1, 1]} : vector<2048x2xf32> to vector<2048x1xf32>
      %slice3A_582 = vector.extract_strided_slice %add3A_580 {offsets = [0, 1], sizes = [2048, 1], strides = [1, 1]} : vector<2048x2xf32> to vector<2048x1xf32>
      %add3A_583 = arith.addf %slice3A_581, %slice3A_582 : vector<2048x1xf32>
      %squeeze3A_584 = vector.shape_cast %add3A_583 : vector<2048x1xf32> to vector<2048xf32>
      %broadcast_in_dim3A_585 = vector.shape_cast %squeeze3A_584 : vector<2048xf32> to vector<1x2048xf32>
      %swap3A_586 = arith.constant 0 : index
      %swap3A_587 = arith.constant 0 : index
      %swap3A_588 = vector.load %arg5[%swap3A_586, %swap3A_587] : memref<1x8192xf32, #tpu.memory_space<vmem>>, vector<1x2048xf32>
      tpu.vector_store %arg5[%swap3A_586, %swap3A_587], %broadcast_in_dim3A_585 {strides = array<i32>} : memref<1x8192xf32, #tpu.memory_space<vmem>>, vector<1x2048xf32>,
      %get3A_589 = arith.constant 2048 : index
      %get3A_590 = arith.constant 0 : index
      %get3A_591 = vector.load %arg2[%get3A_589, %get3A_590] : memref<8192x32xf32, #tpu.memory_space<vmem>>, vector<2048x32xf32>
      %mul3A_592 = arith.mulf %get3A_591, %get3A_591 : vector<2048x32xf32>
      %slice3A_593 = vector.extract_strided_slice %mul3A_592 {offsets = [0, 0], sizes = [2048, 8], strides = [1, 1]} : vector<2048x32xf32> to vector<2048x8xf32>
      %slice3A_594 = vector.extract_strided_slice %mul3A_592 {offsets = [0, 8], sizes = [2048, 8], strides = [1, 1]} : vector<2048x32xf32> to vector<2048x8xf32>
      %add3A_595 = arith.addf %slice3A_593, %slice3A_594 : vector<2048x8xf32>
      %slice3A_596 = vector.extract_strided_slice %mul3A_592 {offsets = [0, 16], sizes = [2048, 8], strides = [1, 1]} : vector<2048x32xf32> to vector<2048x8xf32>
      %add3A_597 = arith.addf %add3A_595, %slice3A_596 : vector<2048x8xf32>
      %slice3A_598 = vector.extract_strided_slice %mul3A_592 {offsets = [0, 24], sizes = [2048, 8], strides = [1, 1]} : vector<2048x32xf32> to vector<2048x8xf32>
      %add3A_599 = arith.addf %add3A_597, %slice3A_598 : vector<2048x8xf32>
      %slice3A_600 = vector.extract_strided_slice %add3A_599 {offsets = [0, 0], sizes = [2048, 4], strides = [1, 1]} : vector<2048x8xf32> to vector<2048x4xf32>
      %slice3A_601 = vector.extract_strided_slice %add3A_599 {offsets = [0, 4], sizes = [2048, 4], strides = [1, 1]} : vector<2048x8xf32> to vector<2048x4xf32>
      %add3A_602 = arith.addf %slice3A_600, %slice3A_601 : vector<2048x4xf32>
      %slice3A_603 = vector.extract_strided_slice %add3A_602 {offsets = [0, 0], sizes = [2048, 2], strides = [1, 1]} : vector<2048x4xf32> to vector<2048x2xf32>
      %slice3A_604 = vector.extract_strided_slice %add3A_602 {offsets = [0, 2], sizes = [2048, 2], strides = [1, 1]} : vector<2048x4xf32> to vector<2048x2xf32>
      %add3A_605 = arith.addf %slice3A_603, %slice3A_604 : vector<2048x2xf32>
      %slice3A_606 = vector.extract_strided_slice %add3A_605 {offsets = [0, 0], sizes = [2048, 1], strides = [1, 1]} : vector<2048x2xf32> to vector<2048x1xf32>
      %slice3A_607 = vector.extract_strided_slice %add3A_605 {offsets = [0, 1], sizes = [2048, 1], strides = [1, 1]} : vector<2048x2xf32> to vector<2048x1xf32>
      %add3A_608 = arith.addf %slice3A_606, %slice3A_607 : vector<2048x1xf32>
      %squeeze3A_609 = vector.shape_cast %add3A_608 : vector<2048x1xf32> to vector<2048xf32>
      %broadcast_in_dim3A_610 = vector.shape_cast %squeeze3A_609 : vector<2048xf32> to vector<1x2048xf32>
      %swap3A_611 = arith.constant 0 : index
      %swap3A_612 = arith.constant 2048 : index
      %swap3A_613 = vector.load %arg5[%swap3A_611, %swap3A_612] : memref<1x8192xf32, #tpu.memory_space<vmem>>, vector<1x2048xf32>
      tpu.vector_store %arg5[%swap3A_611, %swap3A_612], %broadcast_in_dim3A_610 {strides = array<i32>} : memref<1x8192xf32, #tpu.memory_space<vmem>>, vector<1x2048xf32>,
      %get3A_614 = arith.constant 4096 : index
      %get3A_615 = arith.constant 0 : index
      %get3A_616 = vector.load %arg2[%get3A_614, %get3A_615] : memref<8192x32xf32, #tpu.memory_space<vmem>>, vector<2048x32xf32>
      %mul3A_617 = arith.mulf %get3A_616, %get3A_616 : vector<2048x32xf32>
      %slice3A_618 = vector.extract_strided_slice %mul3A_617 {offsets = [0, 0], sizes = [2048, 8], strides = [1, 1]} : vector<2048x32xf32> to vector<2048x8xf32>
      %slice3A_619 = vector.extract_strided_slice %mul3A_617 {offsets = [0, 8], sizes = [2048, 8], strides = [1, 1]} : vector<2048x32xf32> to vector<2048x8xf32>
      %add3A_620 = arith.addf %slice3A_618, %slice3A_619 : vector<2048x8xf32>
      %slice3A_621 = vector.extract_strided_slice %mul3A_617 {offsets = [0, 16], sizes = [2048, 8], strides = [1, 1]} : vector<2048x32xf32> to vector<2048x8xf32>
      %add3A_622 = arith.addf %add3A_620, %slice3A_621 : vector<2048x8xf32>
      %slice3A_623 = vector.extract_strided_slice %mul3A_617 {offsets = [0, 24], sizes = [2048, 8], strides = [1, 1]} : vector<2048x32xf32> to vector<2048x8xf32>
      %add3A_624 = arith.addf %add3A_622, %slice3A_623 : vector<2048x8xf32>
      %slice3A_625 = vector.extract_strided_slice %add3A_624 {offsets = [0, 0], sizes = [2048, 4], strides = [1, 1]} : vector<2048x8xf32> to vector<2048x4xf32>
      %slice3A_626 = vector.extract_strided_slice %add3A_624 {offsets = [0, 4], sizes = [2048, 4], strides = [1, 1]} : vector<2048x8xf32> to vector<2048x4xf32>
      %add3A_627 = arith.addf %slice3A_625, %slice3A_626 : vector<2048x4xf32>
      %slice3A_628 = vector.extract_strided_slice %add3A_627 {offsets = [0, 0], sizes = [2048, 2], strides = [1, 1]} : vector<2048x4xf32> to vector<2048x2xf32>
      %slice3A_629 = vector.extract_strided_slice %add3A_627 {offsets = [0, 2], sizes = [2048, 2], strides = [1, 1]} : vector<2048x4xf32> to vector<2048x2xf32>
      %add3A_630 = arith.addf %slice3A_628, %slice3A_629 : vector<2048x2xf32>
      %slice3A_631 = vector.extract_strided_slice %add3A_630 {offsets = [0, 0], sizes = [2048, 1], strides = [1, 1]} : vector<2048x2xf32> to vector<2048x1xf32>
      %slice3A_632 = vector.extract_strided_slice %add3A_630 {offsets = [0, 1], sizes = [2048, 1], strides = [1, 1]} : vector<2048x2xf32> to vector<2048x1xf32>
      %add3A_633 = arith.addf %slice3A_631, %slice3A_632 : vector<2048x1xf32>
      %squeeze3A_634 = vector.shape_cast %add3A_633 : vector<2048x1xf32> to vector<2048xf32>
      %broadcast_in_dim3A_635 = vector.shape_cast %squeeze3A_634 : vector<2048xf32> to vector<1x2048xf32>
      %swap3A_636 = arith.constant 0 : index
      %swap3A_637 = arith.constant 4096 : index
      %swap3A_638 = vector.load %arg5[%swap3A_636, %swap3A_637] : memref<1x8192xf32, #tpu.memory_space<vmem>>, vector<1x2048xf32>
      tpu.vector_store %arg5[%swap3A_636, %swap3A_637], %broadcast_in_dim3A_635 {strides = array<i32>} : memref<1x8192xf32, #tpu.memory_space<vmem>>, vector<1x2048xf32>,
      %get3A_639 = arith.constant 6144 : index
      %get3A_640 = arith.constant 0 : index
      %get3A_641 = vector.load %arg2[%get3A_639, %get3A_640] : memref<8192x32xf32, #tpu.memory_space<vmem>>, vector<2048x32xf32>
      %mul3A_642 = arith.mulf %get3A_641, %get3A_641 : vector<2048x32xf32>
      %slice3A_643 = vector.extract_strided_slice %mul3A_642 {offsets = [0, 0], sizes = [2048, 8], strides = [1, 1]} : vector<2048x32xf32> to vector<2048x8xf32>
      %slice3A_644 = vector.extract_strided_slice %mul3A_642 {offsets = [0, 8], sizes = [2048, 8], strides = [1, 1]} : vector<2048x32xf32> to vector<2048x8xf32>
      %add3A_645 = arith.addf %slice3A_643, %slice3A_644 : vector<2048x8xf32>
      %slice3A_646 = vector.extract_strided_slice %mul3A_642 {offsets = [0, 16], sizes = [2048, 8], strides = [1, 1]} : vector<2048x32xf32> to vector<2048x8xf32>
      %add3A_647 = arith.addf %add3A_645, %slice3A_646 : vector<2048x8xf32>
      %slice3A_648 = vector.extract_strided_slice %mul3A_642 {offsets = [0, 24], sizes = [2048, 8], strides = [1, 1]} : vector<2048x32xf32> to vector<2048x8xf32>
      %add3A_649 = arith.addf %add3A_647, %slice3A_648 : vector<2048x8xf32>
      %slice3A_650 = vector.extract_strided_slice %add3A_649 {offsets = [0, 0], sizes = [2048, 4], strides = [1, 1]} : vector<2048x8xf32> to vector<2048x4xf32>
      %slice3A_651 = vector.extract_strided_slice %add3A_649 {offsets = [0, 4], sizes = [2048, 4], strides = [1, 1]} : vector<2048x8xf32> to vector<2048x4xf32>
      %add3A_652 = arith.addf %slice3A_650, %slice3A_651 : vector<2048x4xf32>
      %slice3A_653 = vector.extract_strided_slice %add3A_652 {offsets = [0, 0], sizes = [2048, 2], strides = [1, 1]} : vector<2048x4xf32> to vector<2048x2xf32>
      %slice3A_654 = vector.extract_strided_slice %add3A_652 {offsets = [0, 2], sizes = [2048, 2], strides = [1, 1]} : vector<2048x4xf32> to vector<2048x2xf32>
      %add3A_655 = arith.addf %slice3A_653, %slice3A_654 : vector<2048x2xf32>
      %slice3A_656 = vector.extract_strided_slice %add3A_655 {offsets = [0, 0], sizes = [2048, 1], strides = [1, 1]} : vector<2048x2xf32> to vector<2048x1xf32>
      %slice3A_657 = vector.extract_strided_slice %add3A_655 {offsets = [0, 1], sizes = [2048, 1], strides = [1, 1]} : vector<2048x2xf32> to vector<2048x1xf32>
      %add3A_658 = arith.addf %slice3A_656, %slice3A_657 : vector<2048x1xf32>
      %squeeze3A_659 = vector.shape_cast %add3A_658 : vector<2048x1xf32> to vector<2048xf32>
      %broadcast_in_dim3A_660 = vector.shape_cast %squeeze3A_659 : vector<2048xf32> to vector<1x2048xf32>
      %swap3A_661 = arith.constant 0 : index
      %swap3A_662 = arith.constant 6144 : index
      %swap3A_663 = vector.load %arg5[%swap3A_661, %swap3A_662] : memref<1x8192xf32, #tpu.memory_space<vmem>>, vector<1x2048xf32>
      tpu.vector_store %arg5[%swap3A_661, %swap3A_662], %broadcast_in_dim3A_660 {strides = array<i32>} : memref<1x8192xf32, #tpu.memory_space<vmem>>, vector<1x2048xf32>,
    } else {
    }
    %get3A = arith.constant 0 : index
    %get3A_2 = arith.constant 0 : index
    %get3A_3 = vector.load %arg1[%get3A, %get3A_2] : memref<1024x32xf32, #tpu.memory_space<vmem>>, vector<1024x32xf32>
    %mul3A = arith.mulf %get3A_3, %get3A_3 : vector<1024x32xf32>
    %slice3A = vector.extract_strided_slice %mul3A {offsets = [0, 0], sizes = [1024, 8], strides = [1, 1]} : vector<1024x32xf32> to vector<1024x8xf32>
    %slice3A_4 = vector.extract_strided_slice %mul3A {offsets = [0, 8], sizes = [1024, 8], strides = [1, 1]} : vector<1024x32xf32> to vector<1024x8xf32>
    %add3A = arith.addf %slice3A, %slice3A_4 : vector<1024x8xf32>
    %slice3A_5 = vector.extract_strided_slice %mul3A {offsets = [0, 16], sizes = [1024, 8], strides = [1, 1]} : vector<1024x32xf32> to vector<1024x8xf32>
    %add3A_6 = arith.addf %add3A, %slice3A_5 : vector<1024x8xf32>
    %slice3A_7 = vector.extract_strided_slice %mul3A {offsets = [0, 24], sizes = [1024, 8], strides = [1, 1]} : vector<1024x32xf32> to vector<1024x8xf32>
    %add3A_8 = arith.addf %add3A_6, %slice3A_7 : vector<1024x8xf32>
    %slice3A_9 = vector.extract_strided_slice %add3A_8 {offsets = [0, 0], sizes = [1024, 4], strides = [1, 1]} : vector<1024x8xf32> to vector<1024x4xf32>
    %slice3A_10 = vector.extract_strided_slice %add3A_8 {offsets = [0, 4], sizes = [1024, 4], strides = [1, 1]} : vector<1024x8xf32> to vector<1024x4xf32>
    %add3A_11 = arith.addf %slice3A_9, %slice3A_10 : vector<1024x4xf32>
    %slice3A_12 = vector.extract_strided_slice %add3A_11 {offsets = [0, 0], sizes = [1024, 2], strides = [1, 1]} : vector<1024x4xf32> to vector<1024x2xf32>
    %slice3A_13 = vector.extract_strided_slice %add3A_11 {offsets = [0, 2], sizes = [1024, 2], strides = [1, 1]} : vector<1024x4xf32> to vector<1024x2xf32>
    %add3A_14 = arith.addf %slice3A_12, %slice3A_13 : vector<1024x2xf32>
    %slice3A_15 = vector.extract_strided_slice %add3A_14 {offsets = [0, 0], sizes = [1024, 1], strides = [1, 1]} : vector<1024x2xf32> to vector<1024x1xf32>
    %slice3A_16 = vector.extract_strided_slice %add3A_14 {offsets = [0, 1], sizes = [1024, 1], strides = [1, 1]} : vector<1024x2xf32> to vector<1024x1xf32>
    %add3A_17 = arith.addf %slice3A_15, %slice3A_16 : vector<1024x1xf32>
    %get3A_18 = arith.constant 0 : index
    %get3A_19 = arith.constant 0 : index
    %get3A_20 = vector.load %arg2[%get3A_18, %get3A_19] : memref<8192x32xf32, #tpu.memory_space<vmem>>, vector<2048x32xf32>
    %get3A_21 = arith.constant 0 : index
    %get3A_22 = arith.constant 0 : index
    %get3A_23 = vector.load %arg5[%get3A_21, %get3A_22] : memref<1x8192xf32, #tpu.memory_space<vmem>>, vector<1x2048xf32>
    %dot_general3A = arith.constant dense<0.000000e+00> : vector<1024x2048xf32>
    %dot_general3A_24 = tpu.matmul %get3A_3, %get3A_20, %dot_general3A {dimension_numbers = #tpu.dot_dimension_numbers<[1], [1], [0], [0], [0, 0, 1, 0], [], []>, transpose_lhs_hint = false} : vector<1024x32xf32>, vector<2048x32xf32>, vector<1024x2048xf32> -> vector<1024x2048xf32>
    %add3A_25 = vector.broadcast %add3A_17 : vector<1024x1xf32> to vector<1024x2048xf32>
    %add3A_26 = vector.broadcast %get3A_23 : vector<1x2048xf32> to vector<1024x2048xf32>
    %add3A_27 = arith.addf %add3A_25, %add3A_26 : vector<1024x2048xf32>
    %mul3A_28 = arith.constant 2.000000e+00 : f32
    %mul3A_29 = vector.broadcast %mul3A_28 : f32 to vector<1024x2048xf32>
    %mul3A_30 = arith.mulf %mul3A_29, %dot_general3A_24 : vector<1024x2048xf32>
    %sub3A = arith.subf %add3A_27, %mul3A_30 : vector<1024x2048xf32>
    %max3A = arith.constant 0.000000e+00 : f32
    %max3A_31 = vector.broadcast %max3A : f32 to vector<1024x2048xf32>
    %max3A_32 = arith.maximumf %sub3A, %max3A_31 : vector<1024x2048xf32>
    %sqrt3A = math.sqrt %max3A_32 : vector<1024x2048xf32>
    %slice3A_33 = vector.extract_strided_slice %sqrt3A {offsets = [0, 0], sizes = [1024, 128], strides = [1, 1]} : vector<1024x2048xf32> to vector<1024x128xf32>
    %broadcast_in_dim3A = arith.constant 0 : i32
    %broadcast_in_dim3A_34 = vector.broadcast %broadcast_in_dim3A : i32 to vector<1024x128xi32>
    %slice3A_35 = vector.extract_strided_slice %sqrt3A {offsets = [0, 128], sizes = [1024, 128], strides = [1, 1]} : vector<1024x2048xf32> to vector<1024x128xf32>
    %lt3A = arith.cmpf olt, %slice3A_35, %slice3A_33 : vector<1024x128xf32>
    %jit3A = arith.constant 1 : i32
    %broadcast_in_dim3A_36 = vector.broadcast %jit3A : i32 to vector<1024x128xi32>
    %select_n3A = arith.select %lt3A, %broadcast_in_dim3A_36, %broadcast_in_dim3A_34 : vector<1024x128xi1>, vector<1024x128xi32>
    %min3A = arith.minimumf %slice3A_33, %slice3A_35 : vector<1024x128xf32>
    %slice3A_37 = vector.extract_strided_slice %sqrt3A {offsets = [0, 256], sizes = [1024, 128], strides = [1, 1]} : vector<1024x2048xf32> to vector<1024x128xf32>
    %lt3A_38 = arith.cmpf olt, %slice3A_37, %min3A : vector<1024x128xf32>
    %jit3A_39 = arith.constant 2 : i32
    %broadcast_in_dim3A_40 = vector.broadcast %jit3A_39 : i32 to vector<1024x128xi32>
    %select_n3A_41 = arith.select %lt3A_38, %broadcast_in_dim3A_40, %select_n3A : vector<1024x128xi1>, vector<1024x128xi32>
    %min3A_42 = arith.minimumf %min3A, %slice3A_37 : vector<1024x128xf32>
    %slice3A_43 = vector.extract_strided_slice %sqrt3A {offsets = [0, 384], sizes = [1024, 128], strides = [1, 1]} : vector<1024x2048xf32> to vector<1024x128xf32>
    %lt3A_44 = arith.cmpf olt, %slice3A_43, %min3A_42 : vector<1024x128xf32>
    %jit3A_45 = arith.constant 3 : i32
    %broadcast_in_dim3A_46 = vector.broadcast %jit3A_45 : i32 to vector<1024x128xi32>
    %select_n3A_47 = arith.select %lt3A_44, %broadcast_in_dim3A_46, %select_n3A_41 : vector<1024x128xi1>, vector<1024x128xi32>
    %min3A_48 = arith.minimumf %min3A_42, %slice3A_43 : vector<1024x128xf32>
    %slice3A_49 = vector.extract_strided_slice %sqrt3A {offsets = [0, 512], sizes = [1024, 128], strides = [1, 1]} : vector<1024x2048xf32> to vector<1024x128xf32>
    %lt3A_50 = arith.cmpf olt, %slice3A_49, %min3A_48 : vector<1024x128xf32>
    %jit3A_51 = arith.constant 4 : i32
    %broadcast_in_dim3A_52 = vector.broadcast %jit3A_51 : i32 to vector<1024x128xi32>
    %select_n3A_53 = arith.select %lt3A_50, %broadcast_in_dim3A_52, %select_n3A_47 : vector<1024x128xi1>, vector<1024x128xi32>
    %min3A_54 = arith.minimumf %min3A_48, %slice3A_49 : vector<1024x128xf32>
    %slice3A_55 = vector.extract_strided_slice %sqrt3A {offsets = [0, 640], sizes = [1024, 128], strides = [1, 1]} : vector<1024x2048xf32> to vector<1024x128xf32>
    %lt3A_56 = arith.cmpf olt, %slice3A_55, %min3A_54 : vector<1024x128xf32>
    %jit3A_57 = arith.constant 5 : i32
    %broadcast_in_dim3A_58 = vector.broadcast %jit3A_57 : i32 to vector<1024x128xi32>
    %select_n3A_59 = arith.select %lt3A_56, %broadcast_in_dim3A_58, %select_n3A_53 : vector<1024x128xi1>, vector<1024x128xi32>
    %min3A_60 = arith.minimumf %min3A_54, %slice3A_55 : vector<1024x128xf32>
    %slice3A_61 = vector.extract_strided_slice %sqrt3A {offsets = [0, 768], sizes = [1024, 128], strides = [1, 1]} : vector<1024x2048xf32> to vector<1024x128xf32>
    %lt3A_62 = arith.cmpf olt, %slice3A_61, %min3A_60 : vector<1024x128xf32>
    %jit3A_63 = arith.constant 6 : i32
    %broadcast_in_dim3A_64 = vector.broadcast %jit3A_63 : i32 to vector<1024x128xi32>
    %select_n3A_65 = arith.select %lt3A_62, %broadcast_in_dim3A_64, %select_n3A_59 : vector<1024x128xi1>, vector<1024x128xi32>
    %min3A_66 = arith.minimumf %min3A_60, %slice3A_61 : vector<1024x128xf32>
    %slice3A_67 = vector.extract_strided_slice %sqrt3A {offsets = [0, 896], sizes = [1024, 128], strides = [1, 1]} : vector<1024x2048xf32> to vector<1024x128xf32>
    %lt3A_68 = arith.cmpf olt, %slice3A_67, %min3A_66 : vector<1024x128xf32>
    %jit3A_69 = arith.constant 7 : i32
    %broadcast_in_dim3A_70 = vector.broadcast %jit3A_69 : i32 to vector<1024x128xi32>
    %select_n3A_71 = arith.select %lt3A_68, %broadcast_in_dim3A_70, %select_n3A_65 : vector<1024x128xi1>, vector<1024x128xi32>
    %min3A_72 = arith.minimumf %min3A_66, %slice3A_67 : vector<1024x128xf32>
    %slice3A_73 = vector.extract_strided_slice %sqrt3A {offsets = [0, 1024], sizes = [1024, 128], strides = [1, 1]} : vector<1024x2048xf32> to vector<1024x128xf32>
    %lt3A_74 = arith.cmpf olt, %slice3A_73, %min3A_72 : vector<1024x128xf32>
    %jit3A_75 = arith.constant 8 : i32
    %broadcast_in_dim3A_76 = vector.broadcast %jit3A_75 : i32 to vector<1024x128xi32>
    %select_n3A_77 = arith.select %lt3A_74, %broadcast_in_dim3A_76, %select_n3A_71 : vector<1024x128xi1>, vector<1024x128xi32>
    %min3A_78 = arith.minimumf %min3A_72, %slice3A_73 : vector<1024x128xf32>
    %slice3A_79 = vector.extract_strided_slice %sqrt3A {offsets = [0, 1152], sizes = [1024, 128], strides = [1, 1]} : vector<1024x2048xf32> to vector<1024x128xf32>
    %lt3A_80 = arith.cmpf olt, %slice3A_79, %min3A_78 : vector<1024x128xf32>
    %jit3A_81 = arith.constant 9 : i32
    %broadcast_in_dim3A_82 = vector.broadcast %jit3A_81 : i32 to vector<1024x128xi32>
    %select_n3A_83 = arith.select %lt3A_80, %broadcast_in_dim3A_82, %select_n3A_77 : vector<1024x128xi1>, vector<1024x128xi32>
    %min3A_84 = arith.minimumf %min3A_78, %slice3A_79 : vector<1024x128xf32>
    %slice3A_85 = vector.extract_strided_slice %sqrt3A {offsets = [0, 1280], sizes = [1024, 128], strides = [1, 1]} : vector<1024x2048xf32> to vector<1024x128xf32>
    %lt3A_86 = arith.cmpf olt, %slice3A_85, %min3A_84 : vector<1024x128xf32>
    %jit3A_87 = arith.constant 10 : i32
    %broadcast_in_dim3A_88 = vector.broadcast %jit3A_87 : i32 to vector<1024x128xi32>
    %select_n3A_89 = arith.select %lt3A_86, %broadcast_in_dim3A_88, %select_n3A_83 : vector<1024x128xi1>, vector<1024x128xi32>
    %min3A_90 = arith.minimumf %min3A_84, %slice3A_85 : vector<1024x128xf32>
    %slice3A_91 = vector.extract_strided_slice %sqrt3A {offsets = [0, 1408], sizes = [1024, 128], strides = [1, 1]} : vector<1024x2048xf32> to vector<1024x128xf32>
    %lt3A_92 = arith.cmpf olt, %slice3A_91, %min3A_90 : vector<1024x128xf32>
    %jit3A_93 = arith.constant 11 : i32
    %broadcast_in_dim3A_94 = vector.broadcast %jit3A_93 : i32 to vector<1024x128xi32>
    %select_n3A_95 = arith.select %lt3A_92, %broadcast_in_dim3A_94, %select_n3A_89 : vector<1024x128xi1>, vector<1024x128xi32>
    %min3A_96 = arith.minimumf %min3A_90, %slice3A_91 : vector<1024x128xf32>
    %slice3A_97 = vector.extract_strided_slice %sqrt3A {offsets = [0, 1536], sizes = [1024, 128], strides = [1, 1]} : vector<1024x2048xf32> to vector<1024x128xf32>
    %lt3A_98 = arith.cmpf olt, %slice3A_97, %min3A_96 : vector<1024x128xf32>
    %jit3A_99 = arith.constant 12 : i32
    %broadcast_in_dim3A_100 = vector.broadcast %jit3A_99 : i32 to vector<1024x128xi32>
    %select_n3A_101 = arith.select %lt3A_98, %broadcast_in_dim3A_100, %select_n3A_95 : vector<1024x128xi1>, vector<1024x128xi32>
    %min3A_102 = arith.minimumf %min3A_96, %slice3A_97 : vector<1024x128xf32>
    %slice3A_103 = vector.extract_strided_slice %sqrt3A {offsets = [0, 1664], sizes = [1024, 128], strides = [1, 1]} : vector<1024x2048xf32> to vector<1024x128xf32>
    %lt3A_104 = arith.cmpf olt, %slice3A_103, %min3A_102 : vector<1024x128xf32>
    %jit3A_105 = arith.constant 13 : i32
    %broadcast_in_dim3A_106 = vector.broadcast %jit3A_105 : i32 to vector<1024x128xi32>
    %select_n3A_107 = arith.select %lt3A_104, %broadcast_in_dim3A_106, %select_n3A_101 : vector<1024x128xi1>, vector<1024x128xi32>
    %min3A_108 = arith.minimumf %min3A_102, %slice3A_103 : vector<1024x128xf32>
    %slice3A_109 = vector.extract_strided_slice %sqrt3A {offsets = [0, 1792], sizes = [1024, 128], strides = [1, 1]} : vector<1024x2048xf32> to vector<1024x128xf32>
    %lt3A_110 = arith.cmpf olt, %slice3A_109, %min3A_108 : vector<1024x128xf32>
    %jit3A_111 = arith.constant 14 : i32
    %broadcast_in_dim3A_112 = vector.broadcast %jit3A_111 : i32 to vector<1024x128xi32>
    %select_n3A_113 = arith.select %lt3A_110, %broadcast_in_dim3A_112, %select_n3A_107 : vector<1024x128xi1>, vector<1024x128xi32>
    %min3A_114 = arith.minimumf %min3A_108, %slice3A_109 : vector<1024x128xf32>
    %slice3A_115 = vector.extract_strided_slice %sqrt3A {offsets = [0, 1920], sizes = [1024, 128], strides = [1, 1]} : vector<1024x2048xf32> to vector<1024x128xf32>
    %lt3A_116 = arith.cmpf olt, %slice3A_115, %min3A_114 : vector<1024x128xf32>
    %jit3A_117 = arith.constant 15 : i32
    %broadcast_in_dim3A_118 = vector.broadcast %jit3A_117 : i32 to vector<1024x128xi32>
    %select_n3A_119 = arith.select %lt3A_116, %broadcast_in_dim3A_118, %select_n3A_113 : vector<1024x128xi1>, vector<1024x128xi32>
    %min3A_120 = arith.minimumf %min3A_114, %slice3A_115 : vector<1024x128xf32>
    %reduce_min3A = arith.constant dense<0x7F800000> : vector<1024xf32>
    %reduce_min3A_121 = vector.multi_reduction <minimumf>, %min3A_120, %reduce_min3A [1] : vector<1024x128xf32> to vector<1024xf32>
    %broadcast_in_dim3A_122 = vector.shape_cast %reduce_min3A_121 : vector<1024xf32> to vector<1024x1xf32>
    %iota3A = tpu.iota {dimensions = array<i32: 1>} : vector<1024x128xi32>
    %mul3A_123 = arith.constant 128 : i32
    %mul3A_124 = vector.broadcast %mul3A_123 : i32 to vector<1024x128xi32>
    %mul3A_125 = arith.muli %select_n3A_119, %mul3A_124 : vector<1024x128xi32>
    %add3A_126 = arith.addi %mul3A_125, %iota3A : vector<1024x128xi32>
    %eq3A_127 = vector.broadcast %broadcast_in_dim3A_122 : vector<1024x1xf32> to vector<1024x128xf32>
    %eq3A_128 = arith.cmpf oeq, %min3A_120, %eq3A_127 : vector<1024x128xf32>
    %jit3A_129 = arith.constant 8192 : i32
    %broadcast_in_dim3A_130 = vector.broadcast %jit3A_129 : i32 to vector<1024x128xi32>
    %select_n3A_131 = arith.select %eq3A_128, %add3A_126, %broadcast_in_dim3A_130 : vector<1024x128xi1>, vector<1024x128xi32>
    %reduce_min3A_132 = arith.constant dense<2147483647> : vector<1024xi32>
    %reduce_min3A_133 = vector.multi_reduction <minsi>, %select_n3A_131, %reduce_min3A_132 [1] : vector<1024x128xi32> to vector<1024xi32>
    %broadcast_in_dim3A_134 = vector.shape_cast %reduce_min3A_133 : vector<1024xi32> to vector<1024x1xi32>
    %add3A_135 = arith.constant 0 : i32
    %add3A_136 = vector.broadcast %add3A_135 : i32 to vector<1024x1xi32>
    %add3A_137 = arith.addi %broadcast_in_dim3A_134, %add3A_136 : vector<1024x1xi32>
    %get3A_138 = arith.constant 2048 : index
    %get3A_139 = arith.constant 0 : index
    %get3A_140 = vector.load %arg2[%get3A_138, %get3A_139] : memref<8192x32xf32, #tpu.memory_space<vmem>>, vector<2048x32xf32>
    %get3A_141 = arith.constant 0 : index
    %get3A_142 = arith.constant 2048 : index
    %get3A_143 = vector.load %arg5[%get3A_141, %get3A_142] : memref<1x8192xf32, #tpu.memory_space<vmem>>, vector<1x2048xf32>
    %dot_general3A_144 = arith.constant dense<0.000000e+00> : vector<1024x2048xf32>
    %dot_general3A_145 = tpu.matmul %get3A_3, %get3A_140, %dot_general3A_144 {dimension_numbers = #tpu.dot_dimension_numbers<[1], [1], [0], [0], [0, 0, 1, 0], [], []>, transpose_lhs_hint = false} : vector<1024x32xf32>, vector<2048x32xf32>, vector<1024x2048xf32> -> vector<1024x2048xf32>
    %add3A_146 = vector.broadcast %add3A_17 : vector<1024x1xf32> to vector<1024x2048xf32>
    %add3A_147 = vector.broadcast %get3A_143 : vector<1x2048xf32> to vector<1024x2048xf32>
    %add3A_148 = arith.addf %add3A_146, %add3A_147 : vector<1024x2048xf32>
    %mul3A_149 = arith.constant 2.000000e+00 : f32
    %mul3A_150 = vector.broadcast %mul3A_149 : f32 to vector<1024x2048xf32>
    %mul3A_151 = arith.mulf %mul3A_150, %dot_general3A_145 : vector<1024x2048xf32>
    %sub3A_152 = arith.subf %add3A_148, %mul3A_151 : vector<1024x2048xf32>
    %max3A_153 = arith.constant 0.000000e+00 : f32
    %max3A_154 = vector.broadcast %max3A_153 : f32 to vector<1024x2048xf32>
    %max3A_155 = arith.maximumf %sub3A_152, %max3A_154 : vector<1024x2048xf32>
    %sqrt3A_156 = math.sqrt %max3A_155 : vector<1024x2048xf32>
    %slice3A_157 = vector.extract_strided_slice %sqrt3A_156 {offsets = [0, 0], sizes = [1024, 128], strides = [1, 1]} : vector<1024x2048xf32> to vector<1024x128xf32>
    %broadcast_in_dim3A_158 = arith.constant 0 : i32
    %broadcast_in_dim3A_159 = vector.broadcast %broadcast_in_dim3A_158 : i32 to vector<1024x128xi32>
    %slice3A_160 = vector.extract_strided_slice %sqrt3A_156 {offsets = [0, 128], sizes = [1024, 128], strides = [1, 1]} : vector<1024x2048xf32> to vector<1024x128xf32>
    %lt3A_161 = arith.cmpf olt, %slice3A_160, %slice3A_157 : vector<1024x128xf32>
    %jit3A_162 = arith.constant 1 : i32
    %broadcast_in_dim3A_163 = vector.broadcast %jit3A_162 : i32 to vector<1024x128xi32>
    %select_n3A_164 = arith.select %lt3A_161, %broadcast_in_dim3A_163, %broadcast_in_dim3A_159 : vector<1024x128xi1>, vector<1024x128xi32>
    %min3A_165 = arith.minimumf %slice3A_157, %slice3A_160 : vector<1024x128xf32>
    %slice3A_166 = vector.extract_strided_slice %sqrt3A_156 {offsets = [0, 256], sizes = [1024, 128], strides = [1, 1]} : vector<1024x2048xf32> to vector<1024x128xf32>
    %lt3A_167 = arith.cmpf olt, %slice3A_166, %min3A_165 : vector<1024x128xf32>
    %jit3A_168 = arith.constant 2 : i32
    %broadcast_in_dim3A_169 = vector.broadcast %jit3A_168 : i32 to vector<1024x128xi32>
    %select_n3A_170 = arith.select %lt3A_167, %broadcast_in_dim3A_169, %select_n3A_164 : vector<1024x128xi1>, vector<1024x128xi32>
    %min3A_171 = arith.minimumf %min3A_165, %slice3A_166 : vector<1024x128xf32>
    %slice3A_172 = vector.extract_strided_slice %sqrt3A_156 {offsets = [0, 384], sizes = [1024, 128], strides = [1, 1]} : vector<1024x2048xf32> to vector<1024x128xf32>
    %lt3A_173 = arith.cmpf olt, %slice3A_172, %min3A_171 : vector<1024x128xf32>
    %jit3A_174 = arith.constant 3 : i32
    %broadcast_in_dim3A_175 = vector.broadcast %jit3A_174 : i32 to vector<1024x128xi32>
    %select_n3A_176 = arith.select %lt3A_173, %broadcast_in_dim3A_175, %select_n3A_170 : vector<1024x128xi1>, vector<1024x128xi32>
    %min3A_177 = arith.minimumf %min3A_171, %slice3A_172 : vector<1024x128xf32>
    %slice3A_178 = vector.extract_strided_slice %sqrt3A_156 {offsets = [0, 512], sizes = [1024, 128], strides = [1, 1]} : vector<1024x2048xf32> to vector<1024x128xf32>
    %lt3A_179 = arith.cmpf olt, %slice3A_178, %min3A_177 : vector<1024x128xf32>
    %jit3A_180 = arith.constant 4 : i32
    %broadcast_in_dim3A_181 = vector.broadcast %jit3A_180 : i32 to vector<1024x128xi32>
    %select_n3A_182 = arith.select %lt3A_179, %broadcast_in_dim3A_181, %select_n3A_176 : vector<1024x128xi1>, vector<1024x128xi32>
    %min3A_183 = arith.minimumf %min3A_177, %slice3A_178 : vector<1024x128xf32>
    %slice3A_184 = vector.extract_strided_slice %sqrt3A_156 {offsets = [0, 640], sizes = [1024, 128], strides = [1, 1]} : vector<1024x2048xf32> to vector<1024x128xf32>
    %lt3A_185 = arith.cmpf olt, %slice3A_184, %min3A_183 : vector<1024x128xf32>
    %jit3A_186 = arith.constant 5 : i32
    %broadcast_in_dim3A_187 = vector.broadcast %jit3A_186 : i32 to vector<1024x128xi32>
    %select_n3A_188 = arith.select %lt3A_185, %broadcast_in_dim3A_187, %select_n3A_182 : vector<1024x128xi1>, vector<1024x128xi32>
    %min3A_189 = arith.minimumf %min3A_183, %slice3A_184 : vector<1024x128xf32>
    %slice3A_190 = vector.extract_strided_slice %sqrt3A_156 {offsets = [0, 768], sizes = [1024, 128], strides = [1, 1]} : vector<1024x2048xf32> to vector<1024x128xf32>
    %lt3A_191 = arith.cmpf olt, %slice3A_190, %min3A_189 : vector<1024x128xf32>
    %jit3A_192 = arith.constant 6 : i32
    %broadcast_in_dim3A_193 = vector.broadcast %jit3A_192 : i32 to vector<1024x128xi32>
    %select_n3A_194 = arith.select %lt3A_191, %broadcast_in_dim3A_193, %select_n3A_188 : vector<1024x128xi1>, vector<1024x128xi32>
    %min3A_195 = arith.minimumf %min3A_189, %slice3A_190 : vector<1024x128xf32>
    %slice3A_196 = vector.extract_strided_slice %sqrt3A_156 {offsets = [0, 896], sizes = [1024, 128], strides = [1, 1]} : vector<1024x2048xf32> to vector<1024x128xf32>
    %lt3A_197 = arith.cmpf olt, %slice3A_196, %min3A_195 : vector<1024x128xf32>
    %jit3A_198 = arith.constant 7 : i32
    %broadcast_in_dim3A_199 = vector.broadcast %jit3A_198 : i32 to vector<1024x128xi32>
    %select_n3A_200 = arith.select %lt3A_197, %broadcast_in_dim3A_199, %select_n3A_194 : vector<1024x128xi1>, vector<1024x128xi32>
    %min3A_201 = arith.minimumf %min3A_195, %slice3A_196 : vector<1024x128xf32>
    %slice3A_202 = vector.extract_strided_slice %sqrt3A_156 {offsets = [0, 1024], sizes = [1024, 128], strides = [1, 1]} : vector<1024x2048xf32> to vector<1024x128xf32>
    %lt3A_203 = arith.cmpf olt, %slice3A_202, %min3A_201 : vector<1024x128xf32>
    %jit3A_204 = arith.constant 8 : i32
    %broadcast_in_dim3A_205 = vector.broadcast %jit3A_204 : i32 to vector<1024x128xi32>
    %select_n3A_206 = arith.select %lt3A_203, %broadcast_in_dim3A_205, %select_n3A_200 : vector<1024x128xi1>, vector<1024x128xi32>
    %min3A_207 = arith.minimumf %min3A_201, %slice3A_202 : vector<1024x128xf32>
    %slice3A_208 = vector.extract_strided_slice %sqrt3A_156 {offsets = [0, 1152], sizes = [1024, 128], strides = [1, 1]} : vector<1024x2048xf32> to vector<1024x128xf32>
    %lt3A_209 = arith.cmpf olt, %slice3A_208, %min3A_207 : vector<1024x128xf32>
    %jit3A_210 = arith.constant 9 : i32
    %broadcast_in_dim3A_211 = vector.broadcast %jit3A_210 : i32 to vector<1024x128xi32>
    %select_n3A_212 = arith.select %lt3A_209, %broadcast_in_dim3A_211, %select_n3A_206 : vector<1024x128xi1>, vector<1024x128xi32>
    %min3A_213 = arith.minimumf %min3A_207, %slice3A_208 : vector<1024x128xf32>
    %slice3A_214 = vector.extract_strided_slice %sqrt3A_156 {offsets = [0, 1280], sizes = [1024, 128], strides = [1, 1]} : vector<1024x2048xf32> to vector<1024x128xf32>
    %lt3A_215 = arith.cmpf olt, %slice3A_214, %min3A_213 : vector<1024x128xf32>
    %jit3A_216 = arith.constant 10 : i32
    %broadcast_in_dim3A_217 = vector.broadcast %jit3A_216 : i32 to vector<1024x128xi32>
    %select_n3A_218 = arith.select %lt3A_215, %broadcast_in_dim3A_217, %select_n3A_212 : vector<1024x128xi1>, vector<1024x128xi32>
    %min3A_219 = arith.minimumf %min3A_213, %slice3A_214 : vector<1024x128xf32>
    %slice3A_220 = vector.extract_strided_slice %sqrt3A_156 {offsets = [0, 1408], sizes = [1024, 128], strides = [1, 1]} : vector<1024x2048xf32> to vector<1024x128xf32>
    %lt3A_221 = arith.cmpf olt, %slice3A_220, %min3A_219 : vector<1024x128xf32>
    %jit3A_222 = arith.constant 11 : i32
    %broadcast_in_dim3A_223 = vector.broadcast %jit3A_222 : i32 to vector<1024x128xi32>
    %select_n3A_224 = arith.select %lt3A_221, %broadcast_in_dim3A_223, %select_n3A_218 : vector<1024x128xi1>, vector<1024x128xi32>
    %min3A_225 = arith.minimumf %min3A_219, %slice3A_220 : vector<1024x128xf32>
    %slice3A_226 = vector.extract_strided_slice %sqrt3A_156 {offsets = [0, 1536], sizes = [1024, 128], strides = [1, 1]} : vector<1024x2048xf32> to vector<1024x128xf32>
    %lt3A_227 = arith.cmpf olt, %slice3A_226, %min3A_225 : vector<1024x128xf32>
    %jit3A_228 = arith.constant 12 : i32
    %broadcast_in_dim3A_229 = vector.broadcast %jit3A_228 : i32 to vector<1024x128xi32>
    %select_n3A_230 = arith.select %lt3A_227, %broadcast_in_dim3A_229, %select_n3A_224 : vector<1024x128xi1>, vector<1024x128xi32>
    %min3A_231 = arith.minimumf %min3A_225, %slice3A_226 : vector<1024x128xf32>
    %slice3A_232 = vector.extract_strided_slice %sqrt3A_156 {offsets = [0, 1664], sizes = [1024, 128], strides = [1, 1]} : vector<1024x2048xf32> to vector<1024x128xf32>
    %lt3A_233 = arith.cmpf olt, %slice3A_232, %min3A_231 : vector<1024x128xf32>
    %jit3A_234 = arith.constant 13 : i32
    %broadcast_in_dim3A_235 = vector.broadcast %jit3A_234 : i32 to vector<1024x128xi32>
    %select_n3A_236 = arith.select %lt3A_233, %broadcast_in_dim3A_235, %select_n3A_230 : vector<1024x128xi1>, vector<1024x128xi32>
    %min3A_237 = arith.minimumf %min3A_231, %slice3A_232 : vector<1024x128xf32>
    %slice3A_238 = vector.extract_strided_slice %sqrt3A_156 {offsets = [0, 1792], sizes = [1024, 128], strides = [1, 1]} : vector<1024x2048xf32> to vector<1024x128xf32>
    %lt3A_239 = arith.cmpf olt, %slice3A_238, %min3A_237 : vector<1024x128xf32>
    %jit3A_240 = arith.constant 14 : i32
    %broadcast_in_dim3A_241 = vector.broadcast %jit3A_240 : i32 to vector<1024x128xi32>
    %select_n3A_242 = arith.select %lt3A_239, %broadcast_in_dim3A_241, %select_n3A_236 : vector<1024x128xi1>, vector<1024x128xi32>
    %min3A_243 = arith.minimumf %min3A_237, %slice3A_238 : vector<1024x128xf32>
    %slice3A_244 = vector.extract_strided_slice %sqrt3A_156 {offsets = [0, 1920], sizes = [1024, 128], strides = [1, 1]} : vector<1024x2048xf32> to vector<1024x128xf32>
    %lt3A_245 = arith.cmpf olt, %slice3A_244, %min3A_243 : vector<1024x128xf32>
    %jit3A_246 = arith.constant 15 : i32
    %broadcast_in_dim3A_247 = vector.broadcast %jit3A_246 : i32 to vector<1024x128xi32>
    %select_n3A_248 = arith.select %lt3A_245, %broadcast_in_dim3A_247, %select_n3A_242 : vector<1024x128xi1>, vector<1024x128xi32>
    %min3A_249 = arith.minimumf %min3A_243, %slice3A_244 : vector<1024x128xf32>
    %reduce_min3A_250 = arith.constant dense<0x7F800000> : vector<1024xf32>
    %reduce_min3A_251 = vector.multi_reduction <minimumf>, %min3A_249, %reduce_min3A_250 [1] : vector<1024x128xf32> to vector<1024xf32>
    %broadcast_in_dim3A_252 = vector.shape_cast %reduce_min3A_251 : vector<1024xf32> to vector<1024x1xf32>
    %iota3A_253 = tpu.iota {dimensions = array<i32: 1>} : vector<1024x128xi32>
    %mul3A_254 = arith.constant 128 : i32
    %mul3A_255 = vector.broadcast %mul3A_254 : i32 to vector<1024x128xi32>
    %mul3A_256 = arith.muli %select_n3A_248, %mul3A_255 : vector<1024x128xi32>
    %add3A_257 = arith.addi %mul3A_256, %iota3A_253 : vector<1024x128xi32>
    %eq3A_258 = vector.broadcast %broadcast_in_dim3A_252 : vector<1024x1xf32> to vector<1024x128xf32>
    %eq3A_259 = arith.cmpf oeq, %min3A_249, %eq3A_258 : vector<1024x128xf32>
    %jit3A_260 = arith.constant 8192 : i32
    %broadcast_in_dim3A_261 = vector.broadcast %jit3A_260 : i32 to vector<1024x128xi32>
    %select_n3A_262 = arith.select %eq3A_259, %add3A_257, %broadcast_in_dim3A_261 : vector<1024x128xi1>, vector<1024x128xi32>
    %reduce_min3A_263 = arith.constant dense<2147483647> : vector<1024xi32>
    %reduce_min3A_264 = vector.multi_reduction <minsi>, %select_n3A_262, %reduce_min3A_263 [1] : vector<1024x128xi32> to vector<1024xi32>
    %broadcast_in_dim3A_265 = vector.shape_cast %reduce_min3A_264 : vector<1024xi32> to vector<1024x1xi32>
    %add3A_266 = arith.constant 2048 : i32
    %add3A_267 = vector.broadcast %add3A_266 : i32 to vector<1024x1xi32>
    %add3A_268 = arith.addi %broadcast_in_dim3A_265, %add3A_267 : vector<1024x1xi32>
    %get3A_269 = arith.constant 4096 : index
    %get3A_270 = arith.constant 0 : index
    %get3A_271 = vector.load %arg2[%get3A_269, %get3A_270] : memref<8192x32xf32, #tpu.memory_space<vmem>>, vector<2048x32xf32>
    %get3A_272 = arith.constant 0 : index
    %get3A_273 = arith.constant 4096 : index
    %get3A_274 = vector.load %arg5[%get3A_272, %get3A_273] : memref<1x8192xf32, #tpu.memory_space<vmem>>, vector<1x2048xf32>
    %dot_general3A_275 = arith.constant dense<0.000000e+00> : vector<1024x2048xf32>
    %dot_general3A_276 = tpu.matmul %get3A_3, %get3A_271, %dot_general3A_275 {dimension_numbers = #tpu.dot_dimension_numbers<[1], [1], [0], [0], [0, 0, 1, 0], [], []>, transpose_lhs_hint = false} : vector<1024x32xf32>, vector<2048x32xf32>, vector<1024x2048xf32> -> vector<1024x2048xf32>
    %add3A_277 = vector.broadcast %add3A_17 : vector<1024x1xf32> to vector<1024x2048xf32>
    %add3A_278 = vector.broadcast %get3A_274 : vector<1x2048xf32> to vector<1024x2048xf32>
    %add3A_279 = arith.addf %add3A_277, %add3A_278 : vector<1024x2048xf32>
    %mul3A_280 = arith.constant 2.000000e+00 : f32
    %mul3A_281 = vector.broadcast %mul3A_280 : f32 to vector<1024x2048xf32>
    %mul3A_282 = arith.mulf %mul3A_281, %dot_general3A_276 : vector<1024x2048xf32>
    %sub3A_283 = arith.subf %add3A_279, %mul3A_282 : vector<1024x2048xf32>
    %max3A_284 = arith.constant 0.000000e+00 : f32
    %max3A_285 = vector.broadcast %max3A_284 : f32 to vector<1024x2048xf32>
    %max3A_286 = arith.maximumf %sub3A_283, %max3A_285 : vector<1024x2048xf32>
    %sqrt3A_287 = math.sqrt %max3A_286 : vector<1024x2048xf32>
    %slice3A_288 = vector.extract_strided_slice %sqrt3A_287 {offsets = [0, 0], sizes = [1024, 128], strides = [1, 1]} : vector<1024x2048xf32> to vector<1024x128xf32>
    %broadcast_in_dim3A_289 = arith.constant 0 : i32
    %broadcast_in_dim3A_290 = vector.broadcast %broadcast_in_dim3A_289 : i32 to vector<1024x128xi32>
    %slice3A_291 = vector.extract_strided_slice %sqrt3A_287 {offsets = [0, 128], sizes = [1024, 128], strides = [1, 1]} : vector<1024x2048xf32> to vector<1024x128xf32>
    %lt3A_292 = arith.cmpf olt, %slice3A_291, %slice3A_288 : vector<1024x128xf32>
    %jit3A_293 = arith.constant 1 : i32
    %broadcast_in_dim3A_294 = vector.broadcast %jit3A_293 : i32 to vector<1024x128xi32>
    %select_n3A_295 = arith.select %lt3A_292, %broadcast_in_dim3A_294, %broadcast_in_dim3A_290 : vector<1024x128xi1>, vector<1024x128xi32>
    %min3A_296 = arith.minimumf %slice3A_288, %slice3A_291 : vector<1024x128xf32>
    %slice3A_297 = vector.extract_strided_slice %sqrt3A_287 {offsets = [0, 256], sizes = [1024, 128], strides = [1, 1]} : vector<1024x2048xf32> to vector<1024x128xf32>
    %lt3A_298 = arith.cmpf olt, %slice3A_297, %min3A_296 : vector<1024x128xf32>
    %jit3A_299 = arith.constant 2 : i32
    %broadcast_in_dim3A_300 = vector.broadcast %jit3A_299 : i32 to vector<1024x128xi32>
    %select_n3A_301 = arith.select %lt3A_298, %broadcast_in_dim3A_300, %select_n3A_295 : vector<1024x128xi1>, vector<1024x128xi32>
    %min3A_302 = arith.minimumf %min3A_296, %slice3A_297 : vector<1024x128xf32>
    %slice3A_303 = vector.extract_strided_slice %sqrt3A_287 {offsets = [0, 384], sizes = [1024, 128], strides = [1, 1]} : vector<1024x2048xf32> to vector<1024x128xf32>
    %lt3A_304 = arith.cmpf olt, %slice3A_303, %min3A_302 : vector<1024x128xf32>
    %jit3A_305 = arith.constant 3 : i32
    %broadcast_in_dim3A_306 = vector.broadcast %jit3A_305 : i32 to vector<1024x128xi32>
    %select_n3A_307 = arith.select %lt3A_304, %broadcast_in_dim3A_306, %select_n3A_301 : vector<1024x128xi1>, vector<1024x128xi32>
    %min3A_308 = arith.minimumf %min3A_302, %slice3A_303 : vector<1024x128xf32>
    %slice3A_309 = vector.extract_strided_slice %sqrt3A_287 {offsets = [0, 512], sizes = [1024, 128], strides = [1, 1]} : vector<1024x2048xf32> to vector<1024x128xf32>
    %lt3A_310 = arith.cmpf olt, %slice3A_309, %min3A_308 : vector<1024x128xf32>
    %jit3A_311 = arith.constant 4 : i32
    %broadcast_in_dim3A_312 = vector.broadcast %jit3A_311 : i32 to vector<1024x128xi32>
    %select_n3A_313 = arith.select %lt3A_310, %broadcast_in_dim3A_312, %select_n3A_307 : vector<1024x128xi1>, vector<1024x128xi32>
    %min3A_314 = arith.minimumf %min3A_308, %slice3A_309 : vector<1024x128xf32>
    %slice3A_315 = vector.extract_strided_slice %sqrt3A_287 {offsets = [0, 640], sizes = [1024, 128], strides = [1, 1]} : vector<1024x2048xf32> to vector<1024x128xf32>
    %lt3A_316 = arith.cmpf olt, %slice3A_315, %min3A_314 : vector<1024x128xf32>
    %jit3A_317 = arith.constant 5 : i32
    %broadcast_in_dim3A_318 = vector.broadcast %jit3A_317 : i32 to vector<1024x128xi32>
    %select_n3A_319 = arith.select %lt3A_316, %broadcast_in_dim3A_318, %select_n3A_313 : vector<1024x128xi1>, vector<1024x128xi32>
    %min3A_320 = arith.minimumf %min3A_314, %slice3A_315 : vector<1024x128xf32>
    %slice3A_321 = vector.extract_strided_slice %sqrt3A_287 {offsets = [0, 768], sizes = [1024, 128], strides = [1, 1]} : vector<1024x2048xf32> to vector<1024x128xf32>
    %lt3A_322 = arith.cmpf olt, %slice3A_321, %min3A_320 : vector<1024x128xf32>
    %jit3A_323 = arith.constant 6 : i32
    %broadcast_in_dim3A_324 = vector.broadcast %jit3A_323 : i32 to vector<1024x128xi32>
    %select_n3A_325 = arith.select %lt3A_322, %broadcast_in_dim3A_324, %select_n3A_319 : vector<1024x128xi1>, vector<1024x128xi32>
    %min3A_326 = arith.minimumf %min3A_320, %slice3A_321 : vector<1024x128xf32>
    %slice3A_327 = vector.extract_strided_slice %sqrt3A_287 {offsets = [0, 896], sizes = [1024, 128], strides = [1, 1]} : vector<1024x2048xf32> to vector<1024x128xf32>
    %lt3A_328 = arith.cmpf olt, %slice3A_327, %min3A_326 : vector<1024x128xf32>
    %jit3A_329 = arith.constant 7 : i32
    %broadcast_in_dim3A_330 = vector.broadcast %jit3A_329 : i32 to vector<1024x128xi32>
    %select_n3A_331 = arith.select %lt3A_328, %broadcast_in_dim3A_330, %select_n3A_325 : vector<1024x128xi1>, vector<1024x128xi32>
    %min3A_332 = arith.minimumf %min3A_326, %slice3A_327 : vector<1024x128xf32>
    %slice3A_333 = vector.extract_strided_slice %sqrt3A_287 {offsets = [0, 1024], sizes = [1024, 128], strides = [1, 1]} : vector<1024x2048xf32> to vector<1024x128xf32>
    %lt3A_334 = arith.cmpf olt, %slice3A_333, %min3A_332 : vector<1024x128xf32>
    %jit3A_335 = arith.constant 8 : i32
    %broadcast_in_dim3A_336 = vector.broadcast %jit3A_335 : i32 to vector<1024x128xi32>
    %select_n3A_337 = arith.select %lt3A_334, %broadcast_in_dim3A_336, %select_n3A_331 : vector<1024x128xi1>, vector<1024x128xi32>
    %min3A_338 = arith.minimumf %min3A_332, %slice3A_333 : vector<1024x128xf32>
    %slice3A_339 = vector.extract_strided_slice %sqrt3A_287 {offsets = [0, 1152], sizes = [1024, 128], strides = [1, 1]} : vector<1024x2048xf32> to vector<1024x128xf32>
    %lt3A_340 = arith.cmpf olt, %slice3A_339, %min3A_338 : vector<1024x128xf32>
    %jit3A_341 = arith.constant 9 : i32
    %broadcast_in_dim3A_342 = vector.broadcast %jit3A_341 : i32 to vector<1024x128xi32>
    %select_n3A_343 = arith.select %lt3A_340, %broadcast_in_dim3A_342, %select_n3A_337 : vector<1024x128xi1>, vector<1024x128xi32>
    %min3A_344 = arith.minimumf %min3A_338, %slice3A_339 : vector<1024x128xf32>
    %slice3A_345 = vector.extract_strided_slice %sqrt3A_287 {offsets = [0, 1280], sizes = [1024, 128], strides = [1, 1]} : vector<1024x2048xf32> to vector<1024x128xf32>
    %lt3A_346 = arith.cmpf olt, %slice3A_345, %min3A_344 : vector<1024x128xf32>
    %jit3A_347 = arith.constant 10 : i32
    %broadcast_in_dim3A_348 = vector.broadcast %jit3A_347 : i32 to vector<1024x128xi32>
    %select_n3A_349 = arith.select %lt3A_346, %broadcast_in_dim3A_348, %select_n3A_343 : vector<1024x128xi1>, vector<1024x128xi32>
    %min3A_350 = arith.minimumf %min3A_344, %slice3A_345 : vector<1024x128xf32>
    %slice3A_351 = vector.extract_strided_slice %sqrt3A_287 {offsets = [0, 1408], sizes = [1024, 128], strides = [1, 1]} : vector<1024x2048xf32> to vector<1024x128xf32>
    %lt3A_352 = arith.cmpf olt, %slice3A_351, %min3A_350 : vector<1024x128xf32>
    %jit3A_353 = arith.constant 11 : i32
    %broadcast_in_dim3A_354 = vector.broadcast %jit3A_353 : i32 to vector<1024x128xi32>
    %select_n3A_355 = arith.select %lt3A_352, %broadcast_in_dim3A_354, %select_n3A_349 : vector<1024x128xi1>, vector<1024x128xi32>
    %min3A_356 = arith.minimumf %min3A_350, %slice3A_351 : vector<1024x128xf32>
    %slice3A_357 = vector.extract_strided_slice %sqrt3A_287 {offsets = [0, 1536], sizes = [1024, 128], strides = [1, 1]} : vector<1024x2048xf32> to vector<1024x128xf32>
    %lt3A_358 = arith.cmpf olt, %slice3A_357, %min3A_356 : vector<1024x128xf32>
    %jit3A_359 = arith.constant 12 : i32
    %broadcast_in_dim3A_360 = vector.broadcast %jit3A_359 : i32 to vector<1024x128xi32>
    %select_n3A_361 = arith.select %lt3A_358, %broadcast_in_dim3A_360, %select_n3A_355 : vector<1024x128xi1>, vector<1024x128xi32>
    %min3A_362 = arith.minimumf %min3A_356, %slice3A_357 : vector<1024x128xf32>
    %slice3A_363 = vector.extract_strided_slice %sqrt3A_287 {offsets = [0, 1664], sizes = [1024, 128], strides = [1, 1]} : vector<1024x2048xf32> to vector<1024x128xf32>
    %lt3A_364 = arith.cmpf olt, %slice3A_363, %min3A_362 : vector<1024x128xf32>
    %jit3A_365 = arith.constant 13 : i32
    %broadcast_in_dim3A_366 = vector.broadcast %jit3A_365 : i32 to vector<1024x128xi32>
    %select_n3A_367 = arith.select %lt3A_364, %broadcast_in_dim3A_366, %select_n3A_361 : vector<1024x128xi1>, vector<1024x128xi32>
    %min3A_368 = arith.minimumf %min3A_362, %slice3A_363 : vector<1024x128xf32>
    %slice3A_369 = vector.extract_strided_slice %sqrt3A_287 {offsets = [0, 1792], sizes = [1024, 128], strides = [1, 1]} : vector<1024x2048xf32> to vector<1024x128xf32>
    %lt3A_370 = arith.cmpf olt, %slice3A_369, %min3A_368 : vector<1024x128xf32>
    %jit3A_371 = arith.constant 14 : i32
    %broadcast_in_dim3A_372 = vector.broadcast %jit3A_371 : i32 to vector<1024x128xi32>
    %select_n3A_373 = arith.select %lt3A_370, %broadcast_in_dim3A_372, %select_n3A_367 : vector<1024x128xi1>, vector<1024x128xi32>
    %min3A_374 = arith.minimumf %min3A_368, %slice3A_369 : vector<1024x128xf32>
    %slice3A_375 = vector.extract_strided_slice %sqrt3A_287 {offsets = [0, 1920], sizes = [1024, 128], strides = [1, 1]} : vector<1024x2048xf32> to vector<1024x128xf32>
    %lt3A_376 = arith.cmpf olt, %slice3A_375, %min3A_374 : vector<1024x128xf32>
    %jit3A_377 = arith.constant 15 : i32
    %broadcast_in_dim3A_378 = vector.broadcast %jit3A_377 : i32 to vector<1024x128xi32>
    %select_n3A_379 = arith.select %lt3A_376, %broadcast_in_dim3A_378, %select_n3A_373 : vector<1024x128xi1>, vector<1024x128xi32>
    %min3A_380 = arith.minimumf %min3A_374, %slice3A_375 : vector<1024x128xf32>
    %reduce_min3A_381 = arith.constant dense<0x7F800000> : vector<1024xf32>
    %reduce_min3A_382 = vector.multi_reduction <minimumf>, %min3A_380, %reduce_min3A_381 [1] : vector<1024x128xf32> to vector<1024xf32>
    %broadcast_in_dim3A_383 = vector.shape_cast %reduce_min3A_382 : vector<1024xf32> to vector<1024x1xf32>
    %iota3A_384 = tpu.iota {dimensions = array<i32: 1>} : vector<1024x128xi32>
    %mul3A_385 = arith.constant 128 : i32
    %mul3A_386 = vector.broadcast %mul3A_385 : i32 to vector<1024x128xi32>
    %mul3A_387 = arith.muli %select_n3A_379, %mul3A_386 : vector<1024x128xi32>
    %add3A_388 = arith.addi %mul3A_387, %iota3A_384 : vector<1024x128xi32>
    %eq3A_389 = vector.broadcast %broadcast_in_dim3A_383 : vector<1024x1xf32> to vector<1024x128xf32>
    %eq3A_390 = arith.cmpf oeq, %min3A_380, %eq3A_389 : vector<1024x128xf32>
    %jit3A_391 = arith.constant 8192 : i32
    %broadcast_in_dim3A_392 = vector.broadcast %jit3A_391 : i32 to vector<1024x128xi32>
    %select_n3A_393 = arith.select %eq3A_390, %add3A_388, %broadcast_in_dim3A_392 : vector<1024x128xi1>, vector<1024x128xi32>
    %reduce_min3A_394 = arith.constant dense<2147483647> : vector<1024xi32>
    %reduce_min3A_395 = vector.multi_reduction <minsi>, %select_n3A_393, %reduce_min3A_394 [1] : vector<1024x128xi32> to vector<1024xi32>
    %broadcast_in_dim3A_396 = vector.shape_cast %reduce_min3A_395 : vector<1024xi32> to vector<1024x1xi32>
    %add3A_397 = arith.constant 4096 : i32
    %add3A_398 = vector.broadcast %add3A_397 : i32 to vector<1024x1xi32>
    %add3A_399 = arith.addi %broadcast_in_dim3A_396, %add3A_398 : vector<1024x1xi32>
    %get3A_400 = arith.constant 6144 : index
    %get3A_401 = arith.constant 0 : index
    %get3A_402 = vector.load %arg2[%get3A_400, %get3A_401] : memref<8192x32xf32, #tpu.memory_space<vmem>>, vector<2048x32xf32>
    %get3A_403 = arith.constant 0 : index
    %get3A_404 = arith.constant 6144 : index
    %get3A_405 = vector.load %arg5[%get3A_403, %get3A_404] : memref<1x8192xf32, #tpu.memory_space<vmem>>, vector<1x2048xf32>
    %dot_general3A_406 = arith.constant dense<0.000000e+00> : vector<1024x2048xf32>
    %dot_general3A_407 = tpu.matmul %get3A_3, %get3A_402, %dot_general3A_406 {dimension_numbers = #tpu.dot_dimension_numbers<[1], [1], [0], [0], [0, 0, 1, 0], [], []>, transpose_lhs_hint = false} : vector<1024x32xf32>, vector<2048x32xf32>, vector<1024x2048xf32> -> vector<1024x2048xf32>
    %add3A_408 = vector.broadcast %add3A_17 : vector<1024x1xf32> to vector<1024x2048xf32>
    %add3A_409 = vector.broadcast %get3A_405 : vector<1x2048xf32> to vector<1024x2048xf32>
    %add3A_410 = arith.addf %add3A_408, %add3A_409 : vector<1024x2048xf32>
    %mul3A_411 = arith.constant 2.000000e+00 : f32
    %mul3A_412 = vector.broadcast %mul3A_411 : f32 to vector<1024x2048xf32>
    %mul3A_413 = arith.mulf %mul3A_412, %dot_general3A_407 : vector<1024x2048xf32>
    %sub3A_414 = arith.subf %add3A_410, %mul3A_413 : vector<1024x2048xf32>
    %max3A_415 = arith.constant 0.000000e+00 : f32
    %max3A_416 = vector.broadcast %max3A_415 : f32 to vector<1024x2048xf32>
    %max3A_417 = arith.maximumf %sub3A_414, %max3A_416 : vector<1024x2048xf32>
    %sqrt3A_418 = math.sqrt %max3A_417 : vector<1024x2048xf32>
    %slice3A_419 = vector.extract_strided_slice %sqrt3A_418 {offsets = [0, 0], sizes = [1024, 128], strides = [1, 1]} : vector<1024x2048xf32> to vector<1024x128xf32>
    %broadcast_in_dim3A_420 = arith.constant 0 : i32
    %broadcast_in_dim3A_421 = vector.broadcast %broadcast_in_dim3A_420 : i32 to vector<1024x128xi32>
    %slice3A_422 = vector.extract_strided_slice %sqrt3A_418 {offsets = [0, 128], sizes = [1024, 128], strides = [1, 1]} : vector<1024x2048xf32> to vector<1024x128xf32>
    %lt3A_423 = arith.cmpf olt, %slice3A_422, %slice3A_419 : vector<1024x128xf32>
    %jit3A_424 = arith.constant 1 : i32
    %broadcast_in_dim3A_425 = vector.broadcast %jit3A_424 : i32 to vector<1024x128xi32>
    %select_n3A_426 = arith.select %lt3A_423, %broadcast_in_dim3A_425, %broadcast_in_dim3A_421 : vector<1024x128xi1>, vector<1024x128xi32>
    %min3A_427 = arith.minimumf %slice3A_419, %slice3A_422 : vector<1024x128xf32>
    %slice3A_428 = vector.extract_strided_slice %sqrt3A_418 {offsets = [0, 256], sizes = [1024, 128], strides = [1, 1]} : vector<1024x2048xf32> to vector<1024x128xf32>
    %lt3A_429 = arith.cmpf olt, %slice3A_428, %min3A_427 : vector<1024x128xf32>
    %jit3A_430 = arith.constant 2 : i32
    %broadcast_in_dim3A_431 = vector.broadcast %jit3A_430 : i32 to vector<1024x128xi32>
    %select_n3A_432 = arith.select %lt3A_429, %broadcast_in_dim3A_431, %select_n3A_426 : vector<1024x128xi1>, vector<1024x128xi32>
    %min3A_433 = arith.minimumf %min3A_427, %slice3A_428 : vector<1024x128xf32>
    %slice3A_434 = vector.extract_strided_slice %sqrt3A_418 {offsets = [0, 384], sizes = [1024, 128], strides = [1, 1]} : vector<1024x2048xf32> to vector<1024x128xf32>
    %lt3A_435 = arith.cmpf olt, %slice3A_434, %min3A_433 : vector<1024x128xf32>
    %jit3A_436 = arith.constant 3 : i32
    %broadcast_in_dim3A_437 = vector.broadcast %jit3A_436 : i32 to vector<1024x128xi32>
    %select_n3A_438 = arith.select %lt3A_435, %broadcast_in_dim3A_437, %select_n3A_432 : vector<1024x128xi1>, vector<1024x128xi32>
    %min3A_439 = arith.minimumf %min3A_433, %slice3A_434 : vector<1024x128xf32>
    %slice3A_440 = vector.extract_strided_slice %sqrt3A_418 {offsets = [0, 512], sizes = [1024, 128], strides = [1, 1]} : vector<1024x2048xf32> to vector<1024x128xf32>
    %lt3A_441 = arith.cmpf olt, %slice3A_440, %min3A_439 : vector<1024x128xf32>
    %jit3A_442 = arith.constant 4 : i32
    %broadcast_in_dim3A_443 = vector.broadcast %jit3A_442 : i32 to vector<1024x128xi32>
    %select_n3A_444 = arith.select %lt3A_441, %broadcast_in_dim3A_443, %select_n3A_438 : vector<1024x128xi1>, vector<1024x128xi32>
    %min3A_445 = arith.minimumf %min3A_439, %slice3A_440 : vector<1024x128xf32>
    %slice3A_446 = vector.extract_strided_slice %sqrt3A_418 {offsets = [0, 640], sizes = [1024, 128], strides = [1, 1]} : vector<1024x2048xf32> to vector<1024x128xf32>
    %lt3A_447 = arith.cmpf olt, %slice3A_446, %min3A_445 : vector<1024x128xf32>
    %jit3A_448 = arith.constant 5 : i32
    %broadcast_in_dim3A_449 = vector.broadcast %jit3A_448 : i32 to vector<1024x128xi32>
    %select_n3A_450 = arith.select %lt3A_447, %broadcast_in_dim3A_449, %select_n3A_444 : vector<1024x128xi1>, vector<1024x128xi32>
    %min3A_451 = arith.minimumf %min3A_445, %slice3A_446 : vector<1024x128xf32>
    %slice3A_452 = vector.extract_strided_slice %sqrt3A_418 {offsets = [0, 768], sizes = [1024, 128], strides = [1, 1]} : vector<1024x2048xf32> to vector<1024x128xf32>
    %lt3A_453 = arith.cmpf olt, %slice3A_452, %min3A_451 : vector<1024x128xf32>
    %jit3A_454 = arith.constant 6 : i32
    %broadcast_in_dim3A_455 = vector.broadcast %jit3A_454 : i32 to vector<1024x128xi32>
    %select_n3A_456 = arith.select %lt3A_453, %broadcast_in_dim3A_455, %select_n3A_450 : vector<1024x128xi1>, vector<1024x128xi32>
    %min3A_457 = arith.minimumf %min3A_451, %slice3A_452 : vector<1024x128xf32>
    %slice3A_458 = vector.extract_strided_slice %sqrt3A_418 {offsets = [0, 896], sizes = [1024, 128], strides = [1, 1]} : vector<1024x2048xf32> to vector<1024x128xf32>
    %lt3A_459 = arith.cmpf olt, %slice3A_458, %min3A_457 : vector<1024x128xf32>
    %jit3A_460 = arith.constant 7 : i32
    %broadcast_in_dim3A_461 = vector.broadcast %jit3A_460 : i32 to vector<1024x128xi32>
    %select_n3A_462 = arith.select %lt3A_459, %broadcast_in_dim3A_461, %select_n3A_456 : vector<1024x128xi1>, vector<1024x128xi32>
    %min3A_463 = arith.minimumf %min3A_457, %slice3A_458 : vector<1024x128xf32>
    %slice3A_464 = vector.extract_strided_slice %sqrt3A_418 {offsets = [0, 1024], sizes = [1024, 128], strides = [1, 1]} : vector<1024x2048xf32> to vector<1024x128xf32>
    %lt3A_465 = arith.cmpf olt, %slice3A_464, %min3A_463 : vector<1024x128xf32>
    %jit3A_466 = arith.constant 8 : i32
    %broadcast_in_dim3A_467 = vector.broadcast %jit3A_466 : i32 to vector<1024x128xi32>
    %select_n3A_468 = arith.select %lt3A_465, %broadcast_in_dim3A_467, %select_n3A_462 : vector<1024x128xi1>, vector<1024x128xi32>
    %min3A_469 = arith.minimumf %min3A_463, %slice3A_464 : vector<1024x128xf32>
    %slice3A_470 = vector.extract_strided_slice %sqrt3A_418 {offsets = [0, 1152], sizes = [1024, 128], strides = [1, 1]} : vector<1024x2048xf32> to vector<1024x128xf32>
    %lt3A_471 = arith.cmpf olt, %slice3A_470, %min3A_469 : vector<1024x128xf32>
    %jit3A_472 = arith.constant 9 : i32
    %broadcast_in_dim3A_473 = vector.broadcast %jit3A_472 : i32 to vector<1024x128xi32>
    %select_n3A_474 = arith.select %lt3A_471, %broadcast_in_dim3A_473, %select_n3A_468 : vector<1024x128xi1>, vector<1024x128xi32>
    %min3A_475 = arith.minimumf %min3A_469, %slice3A_470 : vector<1024x128xf32>
    %slice3A_476 = vector.extract_strided_slice %sqrt3A_418 {offsets = [0, 1280], sizes = [1024, 128], strides = [1, 1]} : vector<1024x2048xf32> to vector<1024x128xf32>
    %lt3A_477 = arith.cmpf olt, %slice3A_476, %min3A_475 : vector<1024x128xf32>
    %jit3A_478 = arith.constant 10 : i32
    %broadcast_in_dim3A_479 = vector.broadcast %jit3A_478 : i32 to vector<1024x128xi32>
    %select_n3A_480 = arith.select %lt3A_477, %broadcast_in_dim3A_479, %select_n3A_474 : vector<1024x128xi1>, vector<1024x128xi32>
    %min3A_481 = arith.minimumf %min3A_475, %slice3A_476 : vector<1024x128xf32>
    %slice3A_482 = vector.extract_strided_slice %sqrt3A_418 {offsets = [0, 1408], sizes = [1024, 128], strides = [1, 1]} : vector<1024x2048xf32> to vector<1024x128xf32>
    %lt3A_483 = arith.cmpf olt, %slice3A_482, %min3A_481 : vector<1024x128xf32>
    %jit3A_484 = arith.constant 11 : i32
    %broadcast_in_dim3A_485 = vector.broadcast %jit3A_484 : i32 to vector<1024x128xi32>
    %select_n3A_486 = arith.select %lt3A_483, %broadcast_in_dim3A_485, %select_n3A_480 : vector<1024x128xi1>, vector<1024x128xi32>
    %min3A_487 = arith.minimumf %min3A_481, %slice3A_482 : vector<1024x128xf32>
    %slice3A_488 = vector.extract_strided_slice %sqrt3A_418 {offsets = [0, 1536], sizes = [1024, 128], strides = [1, 1]} : vector<1024x2048xf32> to vector<1024x128xf32>
    %lt3A_489 = arith.cmpf olt, %slice3A_488, %min3A_487 : vector<1024x128xf32>
    %jit3A_490 = arith.constant 12 : i32
    %broadcast_in_dim3A_491 = vector.broadcast %jit3A_490 : i32 to vector<1024x128xi32>
    %select_n3A_492 = arith.select %lt3A_489, %broadcast_in_dim3A_491, %select_n3A_486 : vector<1024x128xi1>, vector<1024x128xi32>
    %min3A_493 = arith.minimumf %min3A_487, %slice3A_488 : vector<1024x128xf32>
    %slice3A_494 = vector.extract_strided_slice %sqrt3A_418 {offsets = [0, 1664], sizes = [1024, 128], strides = [1, 1]} : vector<1024x2048xf32> to vector<1024x128xf32>
    %lt3A_495 = arith.cmpf olt, %slice3A_494, %min3A_493 : vector<1024x128xf32>
    %jit3A_496 = arith.constant 13 : i32
    %broadcast_in_dim3A_497 = vector.broadcast %jit3A_496 : i32 to vector<1024x128xi32>
    %select_n3A_498 = arith.select %lt3A_495, %broadcast_in_dim3A_497, %select_n3A_492 : vector<1024x128xi1>, vector<1024x128xi32>
    %min3A_499 = arith.minimumf %min3A_493, %slice3A_494 : vector<1024x128xf32>
    %slice3A_500 = vector.extract_strided_slice %sqrt3A_418 {offsets = [0, 1792], sizes = [1024, 128], strides = [1, 1]} : vector<1024x2048xf32> to vector<1024x128xf32>
    %lt3A_501 = arith.cmpf olt, %slice3A_500, %min3A_499 : vector<1024x128xf32>
    %jit3A_502 = arith.constant 14 : i32
    %broadcast_in_dim3A_503 = vector.broadcast %jit3A_502 : i32 to vector<1024x128xi32>
    %select_n3A_504 = arith.select %lt3A_501, %broadcast_in_dim3A_503, %select_n3A_498 : vector<1024x128xi1>, vector<1024x128xi32>
    %min3A_505 = arith.minimumf %min3A_499, %slice3A_500 : vector<1024x128xf32>
    %slice3A_506 = vector.extract_strided_slice %sqrt3A_418 {offsets = [0, 1920], sizes = [1024, 128], strides = [1, 1]} : vector<1024x2048xf32> to vector<1024x128xf32>
    %lt3A_507 = arith.cmpf olt, %slice3A_506, %min3A_505 : vector<1024x128xf32>
    %jit3A_508 = arith.constant 15 : i32
    %broadcast_in_dim3A_509 = vector.broadcast %jit3A_508 : i32 to vector<1024x128xi32>
    %select_n3A_510 = arith.select %lt3A_507, %broadcast_in_dim3A_509, %select_n3A_504 : vector<1024x128xi1>, vector<1024x128xi32>
    %min3A_511 = arith.minimumf %min3A_505, %slice3A_506 : vector<1024x128xf32>
    %reduce_min3A_512 = arith.constant dense<0x7F800000> : vector<1024xf32>
    %reduce_min3A_513 = vector.multi_reduction <minimumf>, %min3A_511, %reduce_min3A_512 [1] : vector<1024x128xf32> to vector<1024xf32>
    %broadcast_in_dim3A_514 = vector.shape_cast %reduce_min3A_513 : vector<1024xf32> to vector<1024x1xf32>
    %iota3A_515 = tpu.iota {dimensions = array<i32: 1>} : vector<1024x128xi32>
    %mul3A_516 = arith.constant 128 : i32
    %mul3A_517 = vector.broadcast %mul3A_516 : i32 to vector<1024x128xi32>
    %mul3A_518 = arith.muli %select_n3A_510, %mul3A_517 : vector<1024x128xi32>
    %add3A_519 = arith.addi %mul3A_518, %iota3A_515 : vector<1024x128xi32>
    %eq3A_520 = vector.broadcast %broadcast_in_dim3A_514 : vector<1024x1xf32> to vector<1024x128xf32>
    %eq3A_521 = arith.cmpf oeq, %min3A_511, %eq3A_520 : vector<1024x128xf32>
    %jit3A_522 = arith.constant 8192 : i32
    %broadcast_in_dim3A_523 = vector.broadcast %jit3A_522 : i32 to vector<1024x128xi32>
    %select_n3A_524 = arith.select %eq3A_521, %add3A_519, %broadcast_in_dim3A_523 : vector<1024x128xi1>, vector<1024x128xi32>
    %reduce_min3A_525 = arith.constant dense<2147483647> : vector<1024xi32>
    %reduce_min3A_526 = vector.multi_reduction <minsi>, %select_n3A_524, %reduce_min3A_525 [1] : vector<1024x128xi32> to vector<1024xi32>
    %broadcast_in_dim3A_527 = vector.shape_cast %reduce_min3A_526 : vector<1024xi32> to vector<1024x1xi32>
    %add3A_528 = arith.constant 6144 : i32
    %add3A_529 = vector.broadcast %add3A_528 : i32 to vector<1024x1xi32>
    %add3A_530 = arith.addi %broadcast_in_dim3A_527, %add3A_529 : vector<1024x1xi32>
    %lt3A_531 = arith.cmpf olt, %broadcast_in_dim3A_252, %broadcast_in_dim3A_122 : vector<1024x1xf32>
    %select_n3A_532 = arith.select %lt3A_531, %broadcast_in_dim3A_252, %broadcast_in_dim3A_122 : vector<1024x1xi1>, vector<1024x1xf32>
    %select_n3A_533 = arith.select %lt3A_531, %add3A_268, %add3A_137 : vector<1024x1xi1>, vector<1024x1xi32>
    %lt3A_534 = arith.cmpf olt, %broadcast_in_dim3A_514, %broadcast_in_dim3A_383 : vector<1024x1xf32>
    %select_n3A_535 = arith.select %lt3A_534, %broadcast_in_dim3A_514, %broadcast_in_dim3A_383 : vector<1024x1xi1>, vector<1024x1xf32>
    %select_n3A_536 = arith.select %lt3A_534, %add3A_530, %add3A_399 : vector<1024x1xi1>, vector<1024x1xi32>
    %convert_element_type3A_537 = arith.truncf %select_n3A_532 : vector<1024x1xf32> to vector<1024x1xbf16>
    %convert_element_type3A_538 = arith.extf %convert_element_type3A_537 : vector<1024x1xbf16> to vector<1024x1xf32>
    %lt3A_539 = arith.cmpf olt, %select_n3A_535, %convert_element_type3A_538 : vector<1024x1xf32>
    %select_n3A_540 = arith.select %lt3A_539, %select_n3A_536, %select_n3A_533 : vector<1024x1xi1>, vector<1024x1xi32>
    %select_n3A_541 = arith.select %lt3A_539, %select_n3A_535, %select_n3A_532 : vector<1024x1xi1>, vector<1024x1xf32>
    %squeeze3A = vector.shape_cast %select_n3A_540 : vector<1024x1xi32> to vector<1024xi32>
    %swap3A = arith.constant 0 : index
    %swap3A_542 = arith.constant 0 : index
    %swap3A_543 = arith.constant 0 : index
    %swap3A_544 = vector.load %arg3[%swap3A, %swap3A_542, %swap3A_543] : memref<1x1x1024xi32, #tpu.memory_space<vmem>>, vector<1x1x1024xi32>
    %swap3A_545 = vector.shape_cast %swap3A_544 : vector<1x1x1024xi32> to vector<1024xi32>
    %swap3A_546 = vector.shape_cast %squeeze3A : vector<1024xi32> to vector<1x1x1024xi32>
    tpu.vector_store %arg3[%swap3A, %swap3A_542, %swap3A_543], %swap3A_546 {strides = array<i32>} : memref<1x1x1024xi32, #tpu.memory_space<vmem>>, vector<1x1x1024xi32>,
    %eq3A_547 = arith.constant 0 : i32
    %eq3A_548 = arith.cmpi eq, %arg0, %eq3A_547 : i32
    %convert_element_type3A_549 = arith.extui %eq3A_548 : i1 to i32
    %cond3A_550 = arith.constant 0 : i32
    %cond3A_551 = arith.cmpi ne, %convert_element_type3A_549, %cond3A_550 : i32
    scf.if %cond3A_551 {
      %broadcast_in_dim3A_564 = arith.constant 0.000000e+00 : f32
      %broadcast_in_dim3A_565 = vector.broadcast %broadcast_in_dim3A_564 : f32 to vector<1x1xf32>
      %swap3A_566 = arith.constant 0 : index
      %swap3A_567 = arith.constant 0 : index
      %swap3A_568 = vector.load %arg4[%swap3A_566, %swap3A_567] : memref<1x1xf32, #tpu.memory_space<vmem>>, vector<1x1xf32>
      tpu.vector_store %arg4[%swap3A_566, %swap3A_567], %broadcast_in_dim3A_565 {strides = array<i32>} : memref<1x1xf32, #tpu.memory_space<vmem>>, vector<1x1xf32>,
    } else {
    }
    %get3A_552 = arith.constant 0 : index
    %get3A_553 = arith.constant 0 : index
    %get3A_554 = vector.load %arg4[%get3A_552, %get3A_553] : memref<1x1xf32, #tpu.memory_space<vmem>>, vector<1x1xf32>
    %mul3A_555 = arith.mulf %select_n3A_541, %select_n3A_541 : vector<1024x1xf32>
    %reduce_sum3A = vector.shape_cast %mul3A_555 : vector<1024x1xf32> to vector<1x1024x1xf32>
    %reduce_sum3A_556 = arith.constant dense<0.000000e+00> : vector<1xf32>
    %reduce_sum3A_557 = vector.multi_reduction <add>, %reduce_sum3A, %reduce_sum3A_556 [1, 2] : vector<1x1024x1xf32> to vector<1xf32>
    %reduce_sum3A_558 = vector.shape_cast %reduce_sum3A_557 : vector<1xf32> to vector<1x1x1xf32>
    %reduce_sum3A_559 = vector.extract %reduce_sum3A_558[0, 0, 0] : f32 from vector<1x1x1xf32>
    %reshape3A = vector.broadcast %reduce_sum3A_559 : f32 to vector<1x1xf32>
    %add3A_560 = arith.addf %get3A_554, %reshape3A : vector<1x1xf32>
    %swap3A_561 = arith.constant 0 : index
    %swap3A_562 = arith.constant 0 : index
    %swap3A_563 = vector.load %arg4[%swap3A_561, %swap3A_562] : memref<1x1xf32, #tpu.memory_space<vmem>>, vector<1x1xf32>
    tpu.vector_store %arg4[%swap3A_561, %swap3A_562], %add3A_560 {strides = array<i32>} : memref<1x1xf32, #tpu.memory_space<vmem>>, vector<1x1xf32>,
    return
  }
  func.func @transform_0(%arg0: i32) -> (i32, i32) {
    %c0_i32 = arith.constant 0 : i32
    %c0_i32_0 = arith.constant 0 : i32
    return %arg0, %c0_i32 : i32, i32
  }
  func.func @transform_1(%arg0: i32) -> (i32, i32) {
    %c0_i32 = arith.constant 0 : i32
    %c0_i32_0 = arith.constant 0 : i32
    %c0_i32_1 = arith.constant 0 : i32
    return %c0_i32, %c0_i32_0 : i32, i32
  }
  func.func @transform_2(%arg0: i32) -> (i32, i32, i32) {
    %c0_i32 = arith.constant 0 : i32
    %c0_i32_0 = arith.constant 0 : i32
    %c0_i32_1 = arith.constant 0 : i32
    return %arg0, %c0_i32, %c0_i32_0 : i32, i32, i32
  }
  func.func @transform_3(%arg0: i32) -> (i32, i32) {
    %c0_i32 = arith.constant 0 : i32
    %c0_i32_0 = arith.constant 0 : i32
    %c0_i32_1 = arith.constant 0 : i32
    return %c0_i32, %c0_i32_0 : i32, i32
  }
}

</mosaic_0001>

<sc_bundles>
// kernel: kernel.4.cloned.1.call-start
scs
__scs_entry_jumppad:
0x0: {  	(pc) =	sbr.rel $0x88, $3  }
0x1: {  	(tag) =	ssettag $0x0;
	lr =	simm.s32 $0x1  }
0x2: {  	[smem:$0x3F9F] =	sst lr;
	_ =	strace $0xD0000000  }
0x3: {  	_ = 	snop  }
0x4: {  	_ = 	snop  }
0x5: {  	_ = 	snop  }
0x6: {  	_ = 	snop  }
0x7: {  	_ = 	snop  }
__scs_overlays_trampoline_lowered:
0x8: {  	[smem:$0x3FAE] =	sst s0  }
0x9: {  	[smem:$0x3FAF] =	sst s1  }
0xa: {  	[smem:$0x3FB0] =	sst s2  }
0xb: {  	[smem:$0x3FB1] =	sst s3  }
0xc: {  	[smem:$0x3FB2] =	sst s4  }
0xd: {  	[smem:$0x3FB3] =	sst s5  }
0xe: {  	[smem:$0x3FB4] =	sst s6  }
0xf: {  	[smem:$0x3FB5] =	sst s7  }
0x10: {  	[smem:$0x3FB6] =	sst s8  }
0x11: {  	[smem:$0x3FB7] =	sst s9;
	s0 =	simm.s32 @!p0 $0x0  }
0x12: {  	s1 =	sld [smem:$0x3F9D];
	s0 =	simm.s32 @p0 $0x1  }
0x13: {  	[smem:$0x3FB8] =	sst s0;
	s0 =	simm.s32 @!p1 $0x0  }
0x14: {  	s2 =	sld [smem:$0x3F9C];
	s0 =	simm.s32 @p1 $0x1  }
0x15: {  	[smem:$0x3FB9] =	sst s0;
	s0 =	simm.s32 @!p2 $0x0  }
0x16: {  	s3 =	sld [smem:$0x3FDB];
	s0 =	simm.s32 @p2 $0x1  }
0x17: {  	s4 =	simm.s32 $0x1BF5;
	[smem:$0x3FBB] =	sst s0  }
0x18: {  	s0 =	sld [smem:$0x3F9E];
	_ =	swait.ge [sflag:s4], $0x0  }
0x19: {  	s7 =	sld [smem:$0x3F9F]  }
0x1a: {  	s8 =	sadd.s32 $0xFFFFE003, lr  }
0x1b: {  	s9 =	sadd.s32 $0xFFFFFEF7, lr;
	s5 =	simm.s32 $0xFFFFFFFF;
	p2 =	slt.u32 s8, $0xFFFFF086  }
0x1c: {  	p1 =	slt.u32 s9, $0xF7A;
	s5 =	simm.s32 @!p2 $0x0  }
0x1d: {  	s5 =	simm.s32 @p1 $0x1;
	p0 =	seq.s32 s7, s2  }
0x1e: {  	s7 =	smul.u32 @!p0 $0xF7A, s2;
	p2 =	seq.s32 @!p0 s5, $0x0  }
0x1f: {  	s9 =	smul.u32 $0xF7A, s1;
	s8 =	simm.s32 @!p0 $0x1BF5;
	p2 =	por !p2, p0  }
0x20: {  	[sflag:s8] =	ssyncset.s32 @!p0 $0xFFFFF086;
	s6 =	sadd.s32 @!p0 s3, s7;
	s7 =	simm.s32 @!p0 $0x108  }
0x21: {  	s3 =	sadd.s32 s3, s9;
	s6 =	sadd.s32 @!p0 $0x88, s6;
	s7 =	simm.s32 @p2 $0x1082  }
0x22: {  	[simem:s7], [sflag:s8] =	dma.local @!p0 [hbm:s6], $0xF7A  }
0x23: {  	s9 =	sor.u32 $0xD0000000, s2;
	s6 =	simm.s32 $0x108;
	_ =	swait.ge @!p0 [sflag:s8], $0x0  }
0x24: {  	s3 =	sadd.s32 $0x88, s3;
	s6 =	simm.s32 @!p1 $0x1082;
	[sflag:s4] =	ssyncset.s32 $0xFFFFF086  }
0x25: {  	[simem:s6], [sflag:s4] =	dma.local [hbm:s3], $0xF7A  }
0x26: {  	[smem:$0x3F9F] =	sst s1;
	(tag) =	ssettag s2;
	_ =	strace s9  }
0x27: {  	s1 =	sld [smem:$0x3FAF]  }
0x28: {  	s2 =	sld [smem:$0x3FB0]  }
0x29: {  	s4 =	sld [smem:$0x3FB2]  }
0x2a: {  	p0 =	seq.s32 s5, $0x0;
	s5 =	sld [smem:$0x3FB3]  }
0x2b: {  	s6 =	sld [smem:$0x3FB4]  }
0x2c: {  	s7 =	sld [smem:$0x3FB5]  }
0x2d: {  	s3 =	simm.s32 $0x108;
	s8 =	sld [smem:$0x3FB6]  }
0x2e: {  	s3 =	simm.s32 @!p0 $0x1082;
	s9 =	sld [smem:$0x3FB7]  }
0x2f: {  	lr =	sadd.s32 s0, s3;
	s0 =	sld [smem:$0x3FAE]  }
0x30: {  	s3 =	sld [smem:$0x3FB1]  }
0x31: {  	[smem:$0x3FBA] =	sst s10  }
0x32: {  	s10 =	sld [smem:$0x3FB8];
	_ =	sdelay $0x3  }
0x33: {  	p0 =	seq.s32 s10, $0x1;
	s10 =	sld [smem:$0x3FBA];
	_ =	sdelay $0x3  }
0x34: {  	[smem:$0x3FBA] =	sst s10  }
0x35: {  	s10 =	sld [smem:$0x3FB9];
	_ =	sdelay $0x3  }
0x36: {  	p1 =	seq.s32 s10, $0x1;
	s10 =	sld [smem:$0x3FBA];
	_ =	sdelay $0x3  }
0x37: {  	[smem:$0x3FBA] =	sst s10  }
0x38: {  	s10 =	sld [smem:$0x3FBB]  }
0x39: {  	_ = 	snop;
	(pc) =	sbr.ind lr, $3  }
0x3a: {  	_ = 	snop  }
0x3b: {  	_ = 	snop  }
0x3c: {  	p2 =	seq.s32 s10, $0x1;
	s10 =	sld [smem:$0x3FBA]  }
0x3d: {  	_ =	shalt  }
0x3e: {  	_ =	shalt  }
0x3f: {  	_ =	shalt  }
0x40: {  	_ =	shalt  }
0x41: {  	_ =	shalt  }
0x42: {  	_ =	shalt  }
0x43: {  	_ =	shalt  }
0x44: {  	_ =	shalt  }
0x45: {  	_ =	shalt  }
0x46: {  	_ =	shalt  }
0x47: {  	_ =	shalt  }
0x48: {  	_ =	shalt  }
0x49: {  	_ =	shalt  }
0x4a: {  	_ =	shalt  }
0x4b: {  	_ =	shalt  }
0x4c: {  	_ =	shalt  }
0x4d: {  	_ =	shalt  }
0x4e: {  	_ =	shalt  }
0x4f: {  	_ =	shalt  }
0x50: {  	_ =	shalt  }
0x51: {  	_ =	shalt  }
0x52: {  	_ =	shalt  }
0x53: {  	_ =	shalt  }
0x54: {  	_ =	shalt  }
0x55: {  	_ =	shalt  }
0x56: {  	_ =	shalt  }
0x57: {  	_ =	shalt  }
0x58: {  	_ =	shalt  }
0x59: {  	_ =	shalt  }
0x5a: {  	_ =	shalt  }
0x5b: {  	_ =	shalt  }
0x5c: {  	_ =	shalt  }
0x5d: {  	_ =	shalt  }
0x5e: {  	_ =	shalt  }
0x5f: {  	_ =	shalt  }
0x60: {  	_ =	shalt  }
0x61: {  	_ =	shalt  }
0x62: {  	_ =	shalt  }
0x63: {  	_ =	shalt  }
0x64: {  	_ =	shalt  }
0x65: {  	_ =	shalt  }
0x66: {  	_ =	shalt  }
0x67: {  	_ =	shalt  }
0x68: {  	_ =	shalt  }
0x69: {  	_ =	shalt  }
0x6a: {  	_ =	shalt  }
0x6b: {  	_ =	shalt  }
0x6c: {  	_ =	shalt  }
0x6d: {  	_ =	shalt  }
0x6e: {  	_ =	shalt  }
0x6f: {  	_ =	shalt  }
0x70: {  	_ =	shalt  }
0x71: {  	_ =	shalt  }
0x72: {  	_ =	shalt  }
0x73: {  	_ =	shalt  }
0x74: {  	_ =	shalt  }
0x75: {  	_ =	shalt  }
0x76: {  	_ =	shalt  }
0x77: {  	_ =	shalt  }
0x78: {  	_ =	shalt  }
0x79: {  	_ =	shalt  }
0x7a: {  	_ =	shalt  }
0x7b: {  	_ =	shalt  }
0x7c: {  	_ =	shalt  }
0x7d: {  	_ =	shalt  }
0x7e: {  	_ =	shalt  }
0x7f: {  	_ =	shalt  }
0x80: {  	_ =	shalt  }
0x81: {  	_ =	shalt  }
0x82: {  	_ =	shalt  }
0x83: {  	_ =	shalt  }
0x84: {  	_ =	shalt  }
0x85: {  	_ =	shalt  }
0x86: {  	_ =	shalt  }
0x87: {  	_ =	shalt  }
.Lfunc_end0:
.L_simem_size_0:
called_computation_lowered:
.L_overlay_start_0:
0x88: {  	s2 =	sld [smem:$0x3FD9]  }
0x89: {  	s3 =	sld [smem:$0x3FFE];
	_ =	sdelay $0x1  }
0x8a: {  	s1 =	srdreg.scid  }
0x8b: {  	s0 =	sand.u32 $0x1, s1  }
0x8c: {  	s14 =	sshll.u32 s0, $0xA;
	s2 =	sadd.s32 s3, s2  }
0x8d: {  	s2 =	sadd.s32 s2, s14  }
0x8e: {  	[smem:$0x3FC6] =	sst s2  }
0x8f: {  	_ = 	snop  }
0x90: {  	s2 =	sld [smem:$0x3FD0];
	_ =	sdelay $0x2  }
0x91: {  	s15 =	simm.s32 $0xA;
	s4 =	simm.s32 $0x10  }
0x92: {  	[smem:s4], [sflag:s15] =	dma.local [hbm:s2], $0x1  }
0x93: {  	_ =	swait.eq [sflag:s15], $0x1  }
0x94: {  	[sflag:s15] =	ssyncset.done $0x0  }
0x95: {  	[sflag:s15] =	ssyncadd.s32 $0xFFFFFFFF  }
0x96: {  	s16 =	sld [smem:$0x10];
	(tm) =	ssettm $0x1  }
0x97: {  	s17 =	sld [smem:$0x3FFB];
	_ =	sdelay $0x3  }
0x98: {  	_ =	strace s17  }
0x99: {  	s3 =	sld [smem:$0x3FFC];
	_ =	sdelay $0x3  }
0x9a: {  	_ =	strace s3  }
0x9b: {  	s3 =	sld [smem:$0x3FFD];
	_ =	sdelay $0x3  }
0x9c: {  	_ =	strace s3  }
0x9d: {  	_ =	strace $0x8FFFFFFF  }
0x9e: {  	s18 =	sld [smem:$0x3FDB];
	_ =	sdelay $0x1  }
0x9f: {  	s19 =	simm.s32 $_scs_section_size  }
0xa0: {  	s5 =	simm.s32 $_size__tile_overlayer_lowered;
	s6 =	simm.s32 $_tile_overlayer_lowered  }
0xa1: {  	s22 =	simm.s32 $0x1BFF;
	s21 =	sshll.u32 s6, $0x1;
	s3 =	sadd.s32 s19, s18  }
0xa2: {  	s7 =	simm.s32 $0x0;
	s20 =	sshll.u32 s5, $0x1;
	s5 =	sadd.s32 s21, s3  }
0xa3: {  	[timem:s7], [sflag:s22] =	dma.local [hbm:s5], s20  }
0xa4: {  	_ =	swait.ge [sflag:s22], s20  }
0xa5: {  	s4 =	ssub.s32 $0x0, s20;
	[sflag:s22] =	ssyncset.done $0x0  }
0xa6: {  	[sflag:s22] =	ssyncadd.s32 s4;
	_ =	sdelay $0x1  }
0xa7: {  	s23 =	simm.s32 $0x1B8B  }
0xa8: {  	_ =	swait.ge [sflag:s23], $0x1  }
0xa9: {  	[sflag:s23] =	ssyncset.done $0x0  }
0xaa: {  	s25 =	simm.s32 $0x1B8E;
	s24 =	sld [smem:$0x3FFE];
	[sflag:s23] =	ssyncadd.s32 $0xFFFFFFFF  }
0xab: {  	s26 =	simm.s32 $execute0_lowered;
	[smem:$0x3FD2] =	sst s25  }
0xac: {  	s5 =	sshll.u32 s26, $0x1;
	_ =	strace $0x80000046;
	[dreg:$0x1] =	wrdreg $0xFFFFFFFF  }
0xad: {  	s28 =	simm.s32 $_size_execute0_lowered;
	s3 =	sadd.s32 s3, s5;
	[dreg:$0x0] =	wrdreg $0x0  }
0xae: {  	s5 =	sshll.u32 s28, $0x1;
	[dreg:$0x2] =	wrdreg s3  }
0xaf: {  	[dreg:$0x3] =	wrdreg s5  }
0xb0: {  	[dreg:$0x4] =	wrdreg $0xC0  }
0xb1: {  	_ =	task [dreg:s7], $0x5FFFF  }
0xb2: {  	[dreg:$0x1] =	wrdreg $0xFFFFFFFF  }
0xb3: {  	[dreg:$0x0] =	wrdreg $0x60  }
0xb4: {  	[dreg:$0x2] =	wrdreg s24  }
0xb5: {  	[dreg:$0x3] =	wrdreg s16  }
0xb6: {  	[dreg:$0x4] =	wrdreg $0x9  }
0xb7: {  	_ =	task.clear_ibuf [dreg:s7], $0x5FFFF;
	_ =	strace $0x90000046  }
0xb8: {  	s29 =	simm.s32 $0x9;
	_ =	strace $0x80000048  }
0xb9: {  	_ =	swait.ge [sflag:s29], $0x1  }
0xba: {  	[sflag:s29] =	ssyncadd.s32 $0xFFFFFFFF  }
0xbb: {  	_ =	strace $0x90000048  }
0xbc: {  	_ =	sfence  }
0xbd: {  	s30 =	sld [smem:$0x0];
	_ =	sdelay $0x2  }
0xbe: {  	s31 =	sshll.u32 s1, $0xD;
	s1 =	sshrl.u32 s1, $0x2  }
0xbf: {  	s3 =	sand.u32 $0x4000, s31;
	s1 =	sadd.s32 s1, s30  }
0xc0: {  	s0 =	sor.u32 s3, s0;
	s1 =	sshll.u32 s1, $0x11  }
0xc1: {  	s0 =	sor.u32 s1, s0  }
0xc2: {  	s0 =	sadd.s32 $0x8F2B, s0  }
0xc3: {  	[sflag:s0] =	ssyncadd.remote.s32 $0x1  }
0xc4: {  	_ =	sfence.sel $0xFFFF  }
0xc5: {  	[dreg:$0x0] =	wrdreg $0xFFFFFFFF;
	(pc) =	sbr.abs _section_cstart, $3  }
0xc6: {  	[dreg:$0x1] =	wrdreg $0xFFFFFFFF  }
0xc7: {  	_ =	task.clear_ibuf [dreg:s7], $0x2FFFF;
	_ =	strace $0x9FFFFFFF  }
0xc8: {  	(tm) =	ssettm $0x7FFFFFFF  }
0xc9: {  	_ =	shalt  }
tec
execute0_lowered:
.L_overlay_start_1:
0x0: {  	(tag) =	ssettag $0x1  }
0x1: {  	s14 =	rddreg [dreg:$0x0]  }
0x2: {  	s3 =	rddreg [dreg:$0x1];
	s1 =	srdreg.scid  }
0x3: {  	s0 =	rddreg [dreg:$0x2];
	s15 =	sand.u32 $0x1, s1  }
0x4: {  	s2 =	simm.s32 $0x0;
	s1 =	stileid.u32;
	s4 =	sshll.u32 s15, $0x6  }
0x5: {  	[smem:$0x7FF] =	sst s2;
	s5 =	sshll.u32 s1, $0x7;
	s3 =	sadd.s32 s3, s4  }
0x6: {  	_ =	strace $0x80000047;
	s4 =	sadd.s32 s5, s3;
	s3 =	simm.s32 $0x2  }
0x7: {  	[tilespmem:s2], [sflag:$0x2] =	stream.linear.gather [hbm4b:s4+s2], $0x200, $0x38;
	[tilespmem:$0x10200] =	vst v63  }
0x8: {  	_ =	swait.ge [sflag:s3], $0x200  }
0x9: {  	s6 =	simm.s32 $0x80;
	[sflag:s3] =	ssyncset.done $0x0  }
0xa: {  	s7 =	simm.s32 $0x200;
	s5 =	sadd.s32 $0xA00, s14;
	[sflag:s3] =	ssyncadd.s32 $0xFFFFFE00  }
0xb: {  	[tilespmem:s7], [sflag:$0x1] =	stream.indirect.gather [hbm4b:s5+s6], $0x80, s2, s6, $0xb8;
	[tilespmem:$0x10200] =	vst v63  }
0xc: {  	s8 =	simm.s32 $0x4200  }
0xd: {  	[tilespmem:s8], [sflag:$0x1] =	stream.indirect.gather [hbm4b:s5+s6], $0x80, s6, s6, $0xb8;
	[tilespmem:$0x10200] =	vst v63  }
0xe: {  	s9 =	simm.s32 $0x100;
	s10 =	simm.s32 $0x8200  }
0xf: {  	[tilespmem:s10], [sflag:$0x1] =	stream.indirect.gather [hbm4b:s5+s6], $0x80, s9, s6, $0xb8;
	[tilespmem:$0x10200] =	vst v63  }
0x10: {  	s11 =	simm.s32 $0x180;
	s12 =	simm.s32 $0xC200;
	s13 =	simm.s32 $0x1  }
0x11: {  	[tilespmem:s12], [sflag:$0x1] =	stream.indirect.gather [hbm4b:s5+s6], $0x80, s11, s6, $0xb8;
	[tilespmem:$0x10200] =	vst v63  }
0x12: {  	_ =	swait.ge [sflag:s13], $0x4000  }
0x13: {  	[sflag:s13] =	ssyncset.done $0x0  }
0x14: {  	[sflag:s13] =	ssyncadd.s32 $0xFFFFC000  }
0x15: {  	_ =	swait.ge [sflag:s13], $0x4000  }
0x16: {  	[sflag:s13] =	ssyncset.done $0x0  }
0x17: {  	s16 =	sshll.u32 s15, $0xD;
	s15 =	ssub.s32 $0x2, s15;
	[sflag:s13] =	ssyncadd.s32 $0xFFFFC000  }
0x18: {  	s31 =	sshrl.u32 s15, $0x1;
	_ =	swait.ge [sflag:s13], $0x4000  }
0x19: {  	s15 =	ssub.s32 s15, s31;
	[sflag:s13] =	ssyncset.done $0x0  }
0x1a: {  	s17 =	sshll.u32 s1, $0xE;
	s15 =	smax.u32 s15, $0x1;
	[sflag:s13] =	ssyncadd.s32 $0xFFFFC000  }
0x1b: {  	s14 =	sadd.s32 s16, s14;
	p0 =	sne.s32 s15, $0x1;
	_ =	swait.ge [sflag:s13], $0x4000  }
.Ltmp0:
0x1c: {  	s14 =	sadd.s32 s17, s14;
	[sflag:s13] =	ssyncset.done $0x0;
	(pc) =	sbr.rel @!p0 .LBB2_2-.Ltmp0, $4  }
0x1d: {  	s14 =	sadd.s32 $0x20A00, s14;
	[sflag:s13] =	ssyncadd.s32 $0xFFFFC000  }
0x1e: {  	[hbm4b:s14+s2] =	stream.linear.scatter [tilespmem:s7], [sflag:$0x2], $0x10000, $0x38;
	[tilespmem:$0x10200] =	vst v63  }
0x1f: {  	_ =	swait.ge [sflag:s3], $0x10000  }
0x20: {  	s15 =	sadd.s32 $0xFFFFFFFF, s15;
	[sflag:s3] =	ssyncset.done $0x0  }
.LBB2_1:
0x21: {  	p0 =	sne.s32 s15, $0x1;
	s15 =	sadd.s32 $0xFFFFFFFF, s15;
	[sflag:s3] =	ssyncadd.s32 $0xFFFF0000  }
0x22: {  	[tilespmem:s2], [sflag:$0x2] =	stream.linear.gather [hbm4b:s4+s2], $0x200, $0x38;
	[tilespmem:$0x10200] =	vst v63  }
0x23: {  	_ =	swait.ge [sflag:s3], $0x200  }
0x24: {  	[sflag:s3] =	ssyncset.done $0x0  }
0x25: {  	[sflag:s3] =	ssyncadd.s32 $0xFFFFFE00  }
0x26: {  	[tilespmem:s7], [sflag:$0x1] =	stream.indirect.gather [hbm4b:s5+s6], $0x80, s2, s6, $0xb8;
	[tilespmem:$0x10200] =	vst v63  }
0x27: {  	_ = 	snop  }
0x28: {  	[tilespmem:s8], [sflag:$0x1] =	stream.indirect.gather [hbm4b:s5+s6], $0x80, s6, s6, $0xb8;
	[tilespmem:$0x10200] =	vst v63  }
0x29: {  	_ = 	snop  }
0x2a: {  	[tilespmem:s10], [sflag:$0x1] =	stream.indirect.gather [hbm4b:s5+s6], $0x80, s9, s6, $0xb8;
	[tilespmem:$0x10200] =	vst v63  }
0x2b: {  	_ = 	snop  }
0x2c: {  	[tilespmem:s12], [sflag:$0x1] =	stream.indirect.gather [hbm4b:s5+s6], $0x80, s11, s6, $0xb8;
	[tilespmem:$0x10200] =	vst v63  }
0x2d: {  	_ =	swait.ge [sflag:s13], $0x4000  }
0x2e: {  	[sflag:s13] =	ssyncset.done $0x0  }
0x2f: {  	[sflag:s13] =	ssyncadd.s32 $0xFFFFC000  }
0x30: {  	_ =	swait.ge [sflag:s13], $0x4000  }
0x31: {  	[sflag:s13] =	ssyncset.done $0x0  }
0x32: {  	[sflag:s13] =	ssyncadd.s32 $0xFFFFC000  }
0x33: {  	_ =	swait.ge [sflag:s13], $0x4000  }
0x34: {  	[sflag:s13] =	ssyncset.done $0x0  }
0x35: {  	[sflag:s13] =	ssyncadd.s32 $0xFFFFC000  }
0x36: {  	_ =	swait.ge [sflag:s13], $0x4000  }
.Ltmp1:
0x37: {  	[sflag:s13] =	ssyncset.done $0x0;
	(pc) =	sbr.rel @p0 .LBB2_1-.Ltmp1, $4  }
0x38: {  	[sflag:s13] =	ssyncadd.s32 $0xFFFFC000  }
0x39: {  	[hbm4b:s14+s2] =	stream.linear.scatter [tilespmem:s7], [sflag:$0x2], $0x10000, $0x38;
	[tilespmem:$0x10200] =	vst v63  }
0x3a: {  	_ =	swait.ge [sflag:s3], $0x10000  }
0x3b: {  	[sflag:s3] =	ssyncset.done $0x0  }
.LBB2_2:
0x3c: {  	[sflag:s3] =	ssyncadd.s32 $0xFFFF0000  }
0x3d: {  	_ =	sfence.sel $0x180000  }
0x3e: {  	[bflag:$0x0] =	sbarrier.arrive $0xFFFF  }
0x3f: {  	p0 =	sne.s32 s1, $0x0;
	_ =	strace $0x90000047  }
0x40: {  	s0 =	sadd.s32 @!p0 $0x100000, s0;
	[bflag:$0x2] =	sbarrier.arrive $0xFFFF  }
0x41: {  	[sflag:s0] =	ssyncadd.tile.s32 @!p0 $0x1;
	_ =	shalt  }
.Lfunc_end2:
_tile_overlayer_lowered:
.L_overlay_start_2:
0x42: {  	(tag) =	ssettag $0x2  }
0x43: {  	s0 =	rddreg [dreg:$0x0];
	s2 =	stileid.u32  }
0x44: {  	s1 =	rddreg [dreg:$0x1];
	p0 =	sne.s32 s2, $0x0  }
0x45: {  	s3 =	rddreg [dreg:$0x2];
	[bflag:$0x3] =	sbarrier.arrive $0xFFFF;
	s2 =	simm.s32 @!p0 $0x1C02  }
0x46: {  	[timem:s3], [sflag:s2] =	dma.local @!p0 [hbm:s0], s1  }
0x47: {  	s0 =	simm.s32 @!p0 $0x2  }
0x48: {  	_ =	swait.ge @!p0 [sflag:s0], s1  }
0x49: {  	s1 =	ssub.s32 @!p0 $0x0, s1;
	[sflag:s0] =	ssyncset.done @!p0 $0x0  }
0x4a: {  	[sflag:s0] =	ssyncadd.s32 @!p0 s1  }
0x4b: {  	[bflag:$0x3] =	sbarrier.arrive $0xFFFF  }
0x4c: {  	_ =	shalt  }

</sc_bundles>
